<compile_context>
chip_gen: v7x
topology: tpu7x:2x2x1
jax: 0.10.2.dev20260603
libtpu: 0.0.44.dev20260713+nightly
codegen_flags: <defaults>
</compile_context>

<pallas_src>
import functools

import jax
import jax.numpy as jnp
from jax import lax
from jax.experimental import pallas as pl
from jax.experimental.pallas import tpu as pltpu
from jax.experimental.pallas import tpu_sc as plsc

TOP_K = 2
N_GROUP = 4
TOPK_GROUP = 2
ROUTED_SCALING = 2.5
NEG = -1e30
BLK = 512


def _relu2(x):
    r = jnp.maximum(x, 0.0)
    return r * r


def _gate_topk(x_blk, gw, gb):
    bT = x_blk.shape[0]
    E = gw.shape[0]
    gsz = E // N_GROUP
    logits = lax.dot_general(
        x_blk, gw, (((1,), (1,)), ((), ())),
        preferred_element_type=jnp.float32)
    scores = jax.nn.sigmoid(logits)
    sfc = scores + gb

    def top2sum4(v):
        a, b = v[:, 0:1], v[:, 1:2]
        c, d = v[:, 2:3], v[:, 3:4]
        m_ab, n_ab = jnp.maximum(a, b), jnp.minimum(a, b)
        m_cd, n_cd = jnp.maximum(c, d), jnp.minimum(c, d)
        top1 = jnp.maximum(m_ab, m_cd)
        top2 = jnp.maximum(jnp.minimum(m_ab, m_cd), jnp.maximum(n_ab, n_cd))
        return top1 + top2

    gs = [top2sum4(sfc[:, g * gsz:(g + 1) * gsz]) for g in range(N_GROUP)]
    m_ab, n_ab = jnp.maximum(gs[0], gs[1]), jnp.minimum(gs[0], gs[1])
    m_cd, n_cd = jnp.maximum(gs[2], gs[3]), jnp.minimum(gs[2], gs[3])
    thresh = jnp.maximum(jnp.minimum(m_ab, m_cd), jnp.maximum(n_ab, n_cd))

    lane = lax.broadcasted_iota(jnp.int32, (bT, E), 1)
    gid = lane // gsz
    emask = jnp.zeros((bT, E), jnp.float32)
    for g in range(N_GROUP):
        emask = emask + jnp.where(gid == g, 1.0, 0.0) * (gs[g] >= thresh)
    masked = jnp.where(emask > 0, sfc, 0.0)

    v1 = jnp.max(masked, axis=1, keepdims=True)
    idx1 = jnp.min(jnp.where(masked == v1, lane, E), axis=1, keepdims=True)
    sel1 = (lane == idx1)
    masked2 = jnp.where(sel1, NEG, masked)
    v2 = jnp.max(masked2, axis=1, keepdims=True)
    idx2 = jnp.min(jnp.where(masked2 == v2, lane, E), axis=1, keepdims=True)
    sel2 = (lane == idx2)

    w1v = jnp.sum(jnp.where(sel1, scores, 0.0), axis=1, keepdims=True)
    w2v = jnp.sum(jnp.where(sel2, scores, 0.0), axis=1, keepdims=True)
    denom = w1v + w2v + 1e-20
    return sel1, sel2, ROUTED_SCALING * w1v / denom, ROUTED_SCALING * w2v / denom


def _routing_kernel(x_ref, gw_ref, gb_ref, eidx_ref, rnk_ref, wts_ref,
                    cnt_ref, run_ref):
    t = pl.program_id(0)
    bT = x_ref.shape[0]
    E = gw_ref.shape[0]

    @pl.when(t == 0)
    def _():
        run_ref[...] = jnp.zeros_like(run_ref)

    sel1, sel2, w1n, w2n = _gate_topk(x_ref[...], gw_ref[...], gb_ref[...])
    lane = lax.broadcasted_iota(jnp.int32, (bT, E), 1)
    idx1 = jnp.sum(jnp.where(sel1, lane, 0), axis=1, keepdims=True)
    idx2 = jnp.sum(jnp.where(sel2, lane, 0), axis=1, keepdims=True)

    oh = sel1.astype(jnp.float32) + sel2.astype(jnp.float32)
    row = lax.broadcasted_iota(jnp.int32, (bT, bT), 0)
    col = lax.broadcasted_iota(jnp.int32, (bT, bT), 1)
    ltri = jnp.where(row > col, 1.0, 0.0)
    prefix = lax.dot_general(
        ltri, oh, (((1,), (0,)), ((), ())),
        preferred_element_type=jnp.float32)
    base = run_ref[...] + prefix
    r1 = jnp.sum(jnp.where(sel1, base, 0.0), axis=1, keepdims=True)
    r2 = jnp.sum(jnp.where(sel2, base, 0.0), axis=1, keepdims=True)
    run_new = run_ref[...] + jnp.sum(oh, axis=0, keepdims=True)
    run_ref[...] = run_new

    eidx_ref[...] = jnp.concatenate([idx1, idx2], axis=1)
    rnk_ref[...] = jnp.concatenate([r1, r2], axis=1).astype(jnp.int32)
    wts_ref[...] = jnp.concatenate([w1n, w2n], axis=1)
    cnt_ref[...] = run_new.astype(jnp.int32)


def _grouped_mlp_kernel(be_ref, valid_ref, xs_ref, w1_ref, w2_ref, ys_ref):
    b = pl.program_id(0)

    @pl.when(valid_ref[b] == 1)
    def _():
        h = _relu2(lax.dot_general(
            xs_ref[...].astype(jnp.bfloat16),
            w1_ref[0].astype(jnp.bfloat16), (((1,), (1,)), ((), ())),
            preferred_element_type=jnp.float32))
        ys_ref[...] = lax.dot_general(
            h.astype(jnp.bfloat16),
            w2_ref[0].astype(jnp.bfloat16), (((1,), (1,)), ((), ())),
            preferred_element_type=jnp.float32)


def _shared_mlp_kernel(x_ref, sw1_ref, sw2_ref, out_ref):
    s = _relu2(lax.dot_general(
        x_ref[...].astype(jnp.bfloat16),
        sw1_ref[...].astype(jnp.bfloat16), (((1,), (1,)), ((), ())),
        preferred_element_type=jnp.float32))
    out_ref[...] = lax.dot_general(
        s.astype(jnp.bfloat16),
        sw2_ref[...].astype(jnp.bfloat16), (((1,), (1,)), ((), ())),
        preferred_element_type=jnp.float32)


def _combine_kernel(sh_ref, yg_ref, wts_ref, out_ref):
    y0 = yg_ref[:, 0, :]
    y1 = yg_ref[:, 1, :]
    w0 = wts_ref[:, 0:1]
    w1 = wts_ref[:, 1:2]
    out_ref[...] = sh_ref[...] + w0 * y0 + w1 * y1


def _sc_dispatch(x, tok, pos, S, chunk=64):
    T, D = x.shape
    B = tok.shape[0]
    info = plsc.get_sparse_core_info()
    NC, NS = info.num_cores, info.num_subcores
    NW = NC * NS
    assert B % (8 * NW) == 0 and D % 16 == 0
    b_per_w = B // NW
    assert b_per_w % chunk == 0 and chunk <= 128 and chunk % 8 == 0
    n_chunks = b_per_w // chunk
    mesh = plsc.VectorSubcoreMesh(core_axis_name="c", subcore_axis_name="s")

    @functools.partial(
        pl.kernel, mesh=mesh,
        out_type=jax.ShapeDtypeStruct((S, D), jnp.float32),
        scratch_types=[
            pltpu.VMEM((chunk,), jnp.int32),
            pltpu.VMEM((chunk,), jnp.int32),
            pltpu.VMEM((chunk, D), jnp.float32),
            pltpu.SemaphoreType.DMA,
        ],
    )
    def dispatch_k(x_hbm, tok_hbm, pos_hbm, xs_hbm, tidx_v, pidx_v, rows_v,
                   sem):
        wid = lax.axis_index("s") * NC + lax.axis_index("c")
        base = wid * b_per_w
        for c in range(n_chunks):
            cbase = base + c * chunk
            pltpu.sync_copy(tok_hbm.at[pl.ds(cbase, chunk)], tidx_v)
            pltpu.sync_copy(pos_hbm.at[pl.ds(cbase, chunk)], pidx_v)
            pltpu.async_copy(x_hbm.at[tidx_v], rows_v, sem).wait()
            pltpu.async_copy(rows_v, xs_hbm.at[pidx_v], sem).wait()

    return dispatch_k(x, tok, pos)


def _sc_gather(table, idx, chunk=64):
    V, D = table.shape
    B = idx.shape[0]
    info = plsc.get_sparse_core_info()
    NC, NS = info.num_cores, info.num_subcores
    NW = NC * NS
    assert B % (8 * NW) == 0 and D % 16 == 0
    b_per_w = B // NW
    assert b_per_w % chunk == 0 and chunk <= 128 and chunk % 8 == 0
    n_chunks = b_per_w // chunk
    mesh = plsc.VectorSubcoreMesh(core_axis_name="c", subcore_axis_name="s")

    @functools.partial(
        pl.kernel, mesh=mesh,
        out_type=jax.ShapeDtypeStruct((B, D), jnp.float32),
        scratch_types=[
            pltpu.VMEM((chunk,), jnp.int32),
            pltpu.VMEM((chunk, D), jnp.float32),
            pltpu.SemaphoreType.DMA,
        ],
    )
    def gather_k(table_hbm, idx_hbm, out_hbm, idx_v, rows_v, sem):
        wid = lax.axis_index("s") * NC + lax.axis_index("c")
        base = wid * b_per_w
        for c in range(n_chunks):
            cbase = base + c * chunk
            pltpu.sync_copy(idx_hbm.at[pl.ds(cbase, chunk)], idx_v)
            pltpu.async_copy(table_hbm.at[idx_v], rows_v, sem).wait()
            pltpu.sync_copy(rows_v, out_hbm.at[pl.ds(cbase, chunk)])

    return gather_k(table, idx)


@jax.jit
def kernel(hidden_states, gate_w, gate_bias, w1, w2, shared_w1, shared_w2):
    x = hidden_states
    T, D = x.shape
    E, I, _ = w1.shape
    SI = shared_w1.shape[0]
    NB = (T * TOP_K) // BLK + E
    S = NB * BLK

    bT = min(512, T)
    eidx, rnk, wts, counts = pl.pallas_call(
        _routing_kernel,
        grid=(T // bT,),
        in_specs=[
            pl.BlockSpec((bT, D), lambda t: (t, 0)),
            pl.BlockSpec((E, D), lambda t: (0, 0)),
            pl.BlockSpec((1, E), lambda t: (0, 0)),
        ],
        out_specs=[
            pl.BlockSpec((bT, TOP_K), lambda t: (t, 0)),
            pl.BlockSpec((bT, TOP_K), lambda t: (t, 0)),
            pl.BlockSpec((bT, TOP_K), lambda t: (t, 0)),
            pl.BlockSpec((1, E), lambda t: (0, 0)),
        ],
        out_shape=[
            jax.ShapeDtypeStruct((T, TOP_K), jnp.int32),
            jax.ShapeDtypeStruct((T, TOP_K), jnp.int32),
            jax.ShapeDtypeStruct((T, TOP_K), jnp.float32),
            jax.ShapeDtypeStruct((1, E), jnp.int32),
        ],
        scratch_shapes=[pltpu.VMEM((1, E), jnp.float32)],
    )(x, gate_w, gate_bias.reshape(1, E))

    c = counts[0]
    nb = (c + BLK - 1) // BLK
    total_blocks = jnp.sum(nb)
    block_expert = jnp.repeat(
        jnp.arange(E, dtype=jnp.int32), nb, total_repeat_length=NB)
    block_valid = (jnp.arange(NB, dtype=jnp.int32)
                   < total_blocks).astype(jnp.int32)
    offsets = (jnp.cumsum(nb) - nb).astype(jnp.int32) * BLK
    pos = offsets[eidx] + rnk
    pos_flat = pos.reshape(-1)
    tok_flat = (jnp.arange(T * TOP_K, dtype=jnp.int32) // TOP_K)

    bT2 = min(512, T)
    shared_y = pl.pallas_call(
        _shared_mlp_kernel,
        grid=(T // bT2,),
        in_specs=[
            pl.BlockSpec((bT2, D), lambda t: (t, 0)),
            pl.BlockSpec((SI, D), lambda t: (0, 0)),
            pl.BlockSpec((D, SI), lambda t: (0, 0)),
        ],
        out_specs=pl.BlockSpec((bT2, D), lambda t: (t, 0)),
        out_shape=jax.ShapeDtypeStruct((T, D), jnp.float32),
    )(x, shared_w1, shared_w2)

    xs = _sc_dispatch(x, tok_flat, pos_flat, S)

    ys = pl.pallas_call(
        _grouped_mlp_kernel,
        grid_spec=pltpu.PrefetchScalarGridSpec(
            num_scalar_prefetch=2,
            grid=(NB,),
            in_specs=[
                pl.BlockSpec((BLK, D), lambda b, be, bv: (b, 0)),
                pl.BlockSpec((1, I, D), lambda b, be, bv: (be[b], 0, 0)),
                pl.BlockSpec((1, D, I), lambda b, be, bv: (be[b], 0, 0)),
            ],
            out_specs=pl.BlockSpec((BLK, D), lambda b, be, bv: (b, 0)),
        ),
        out_shape=jax.ShapeDtypeStruct((S, D), jnp.float32),
    )(block_expert, block_valid, xs, w1, w2)

    yg = _sc_gather(ys, pos_flat)
    yg = yg.reshape(T, TOP_K, D)

    out = pl.pallas_call(
        _combine_kernel,
        grid=(T // bT2,),
        in_specs=[
            pl.BlockSpec((bT2, D), lambda t: (t, 0)),
            pl.BlockSpec((bT2, TOP_K, D), lambda t: (t, 0, 0)),
            pl.BlockSpec((bT2, TOP_K), lambda t: (t, 0)),
        ],
        out_specs=pl.BlockSpec((bT2, D), lambda t: (t, 0)),
        out_shape=jax.ShapeDtypeStruct((T, D), jnp.float32),
    )(shared_y, yg, wts)
    return out

# --- scband reference (transcript-rebuilt; emitter-appended) ---
"""Pipeline reference for scband-nemotron-hmoe-12481174962825 (READ-ONLY COPY).

The authoritative reference and input builder live on the scoring server;
editing this copy changes nothing except your own understanding.
"""

import jax, jax.numpy as jnp
import numpy as np

TOP_K = 2
N_GROUP = 4
TOPK_GROUP = 2
ROUTED_SCALING = 2.5


def setup_inputs(seed: int = 0) -> dict:
    key = jax.random.key(seed)
    ks = jax.random.split(key, 8)
    T, D, E, I = 2048, 1024, 16, 512
    SI = 2 * 512  # n_shared_experts * moe_shared_expert_intermediate_size
    return {
        "hidden_states": jax.random.normal(ks[0], (T, D), dtype=jnp.float32),
        "gate_w": jax.random.normal(ks[1], (E, D), dtype=jnp.float32) * 0.02,
        "gate_bias": jax.random.normal(ks[2], (E,), dtype=jnp.float32) * 0.02,
        "w1": jax.random.normal(ks[3], (E, I, D), dtype=jnp.float32) * 0.02,
        "w2": jax.random.normal(ks[4], (E, D, I), dtype=jnp.float32) * 0.02,
        "shared_w1": jax.random.normal(ks[5], (SI, D), dtype=jnp.float32) * 0.02,
        "shared_w2": jax.random.normal(ks[6], (D, SI), dtype=jnp.float32) * 0.02,
    }


def _relu2(x):
    r = jax.nn.relu(x)
    return r * r


def _forward(hidden_states, gate_w, gate_bias, w1, w2, shared_w1, shared_w2):
    x = hidden_states
    T, D = x.shape
    E = gate_w.shape[0]
    # --- DeepseekV3Gate (noaux_tc routing) ---
    logits = jnp.dot(x.astype(jnp.float32), gate_w.T.astype(jnp.float32))
    scores = jax.nn.sigmoid(logits)
    scores_for_choice = scores + gate_bias[None, :]
    grp = scores_for_choice.reshape(T, N_GROUP, E // N_GROUP)
    top2_vals, _ = jax.lax.top_k(grp, 2)
    group_scores = top2_vals.sum(-1)  # [T, N_GROUP]
    _, group_idx = jax.lax.top_k(group_scores, TOPK_GROUP)
    group_mask = jnp.zeros((T, N_GROUP), dtype=scores.dtype).at[
        jnp.arange(T)[:, None], group_idx
    ].set(1.0)
    expert_mask = jnp.repeat(group_mask, E // N_GROUP, axis=1)  # [T, E]
    masked_scores = jnp.where(expert_mask > 0, scores_for_choice, 0.0)
    _, topk_idx = jax.lax.top_k(masked_scores, TOP_K)
    topk_weight = jnp.take_along_axis(scores, topk_idx, axis=1)
    topk_weight = topk_weight / (topk_weight.sum(-1, keepdims=True) + 1e-20)
    topk_weight = topk_weight * ROUTED_SCALING
    # --- routed experts (relu2 MLP per expert, combined with routing weights) ---
    combine = jnp.zeros((T, E), dtype=x.dtype).at[
        jnp.arange(T)[:, None], topk_idx
    ].add(topk_weight.astype(x.dtype))  # scatter-add combine weights
    h = jnp.einsum('td,eid->tei', x, w1)
    h = _relu2(h)
    y = jnp.einsum('tei,edi->ted', h, w2)
    routed = jnp.einsum('te,ted->td', combine, y)
    # --- shared experts (relu2 MLP) ---
    s = _relu2(jnp.dot(x, shared_w1.T))
    shared = jnp.dot(s, shared_w2.T)
    return shared + routed


def reference(hidden_states, gate_w, gate_bias, w1, w2, shared_w1, shared_w2):
    return _forward(hidden_states, gate_w, gate_bias, w1, w2, shared_w1, shared_w2)

if __name__ == "__main__":
    import jax
    _d = setup_inputs()
    print(jax.jit(kernel)(*tuple(_d.values())))

</pallas_src>

<mosaic_0001>
#map = affine_map<(d0, d1) -> (0, 0)>
#map1 = affine_map<(d0, d1) -> (0)>
module attributes {stable_mosaic.version = 14 : i64} {
  func.func @dispatch_k(%arg0: i32, %arg1: i32, %arg2: memref<2048x1024xf32, #tpu.memory_space<hbm>>, %arg3: memref<4096xi32, #tpu.memory_space<hbm>>, %arg4: memref<4096xi32, #tpu.memory_space<hbm>>, %arg5: memref<12288x1024xf32, #tpu.memory_space<hbm>>, %arg6: memref<64xi32, #tpu.memory_space<vmem>>, %arg7: memref<64xi32, #tpu.memory_space<vmem>>, %arg8: memref<64x1024xf32, #tpu.memory_space<vmem>>, %arg9: memref<!tpu.dma_semaphore, #tpu.memory_space<semaphore_mem>>) attributes {dimension_semantics = [#tpu.dimension_semantics<core_parallel>, #tpu.dimension_semantics<subcore_parallel>], iteration_bounds = array<i64: 2, 16>, scalar_prefetch = 0 : i64, scratch_operands = 4 : i64, tpu.core_type = #tpu.core_type<sc_vector_subcore>, window_params = [{transform_indices = #map}, {transform_indices = #map1}, {transform_indices = #map1}, {transform_indices = #map}]} {
    %mul3A = arith.constant 2 : i32
    %mul3A_0 = arith.muli %arg1, %mul3A : i32
    %add3A = arith.addi %mul3A_0, %arg0 : i32
    %mul3A_1 = arith.constant 128 : i32
    %mul3A_2 = arith.muli %add3A, %mul3A_1 : i32
    %add3A_3 = arith.constant 0 : i32
    %add3A_4 = arith.addi %mul3A_2, %add3A_3 : i32
    "tpu.region"() ({
      %run_scoped3A = tpu.sem_alloc : memref<!tpu.dma_semaphore, #tpu.memory_space<semaphore_mem>>
      %dma_start3A_29 = tpu.memref_slice %arg3[%add3A_4] : memref<4096xi32, #tpu.memory_space<hbm>> -> memref<64xi32, #tpu.memory_space<hbm>>
      %dma_start3A_30 = tpu.memref_slice %arg3[%add3A_4] : memref<4096xi32, #tpu.memory_space<hbm>> -> memref<64xi32, #tpu.memory_space<hbm>>
      tpu.enqueue_dma source(%dma_start3A_30 : memref<64xi32, #tpu.memory_space<hbm>>) target(%arg6 : memref<64xi32, #tpu.memory_space<vmem>>) target_semaphore(%run_scoped3A : memref<!tpu.dma_semaphore, #tpu.memory_space<semaphore_mem>>)
      %dma_wait3A_31 = tpu.memref_slice %arg3[%add3A_4] : memref<4096xi32, #tpu.memory_space<hbm>> -> memref<64xi32, #tpu.memory_space<hbm>>
      %dma_wait3A_32 = tpu.memref_slice %arg3[%add3A_4] : memref<4096xi32, #tpu.memory_space<hbm>> -> memref<64xi32, #tpu.memory_space<hbm>>
      tpu.wait_dma2 semaphore(%run_scoped3A : memref<!tpu.dma_semaphore, #tpu.memory_space<semaphore_mem>>) src(%dma_wait3A_32 : memref<64xi32, #tpu.memory_space<hbm>>) dst(%arg6 : memref<64xi32, #tpu.memory_space<vmem>>)
      tpu.yield
    }) : () -> ()
    "tpu.region"() ({
      %run_scoped3A = tpu.sem_alloc : memref<!tpu.dma_semaphore, #tpu.memory_space<semaphore_mem>>
      %dma_start3A_29 = tpu.memref_slice %arg4[%add3A_4] : memref<4096xi32, #tpu.memory_space<hbm>> -> memref<64xi32, #tpu.memory_space<hbm>>
      %dma_start3A_30 = tpu.memref_slice %arg4[%add3A_4] : memref<4096xi32, #tpu.memory_space<hbm>> -> memref<64xi32, #tpu.memory_space<hbm>>
      tpu.enqueue_dma source(%dma_start3A_30 : memref<64xi32, #tpu.memory_space<hbm>>) target(%arg7 : memref<64xi32, #tpu.memory_space<vmem>>) target_semaphore(%run_scoped3A : memref<!tpu.dma_semaphore, #tpu.memory_space<semaphore_mem>>)
      %dma_wait3A_31 = tpu.memref_slice %arg4[%add3A_4] : memref<4096xi32, #tpu.memory_space<hbm>> -> memref<64xi32, #tpu.memory_space<hbm>>
      %dma_wait3A_32 = tpu.memref_slice %arg4[%add3A_4] : memref<4096xi32, #tpu.memory_space<hbm>> -> memref<64xi32, #tpu.memory_space<hbm>>
      tpu.wait_dma2 semaphore(%run_scoped3A : memref<!tpu.dma_semaphore, #tpu.memory_space<semaphore_mem>>) src(%dma_wait3A_32 : memref<64xi32, #tpu.memory_space<hbm>>) dst(%arg7 : memref<64xi32, #tpu.memory_space<vmem>>)
      tpu.yield
    }) : () -> ()
    %dma_start3A = arith.constant 0 : i32
    %dma_start3A_5 = arith.constant 0 : i32
    %dma_start3A_6 = tpu.memref_slice %arg2[%dma_start3A, %dma_start3A_5] : memref<2048x1024xf32, #tpu.memory_space<hbm>> -> memref<2048x1024xf32, #tpu.memory_space<hbm>>
    tpu.enqueue_indirect_dma source(%dma_start3A_6 : memref<2048x1024xf32, #tpu.memory_space<hbm>>) target(%arg8 : memref<64x1024xf32, #tpu.memory_space<vmem>>) offsets(%arg6 : memref<64xi32, #tpu.memory_space<vmem>>) semaphore(%arg9 : memref<!tpu.dma_semaphore, #tpu.memory_space<semaphore_mem>>)
    %dma_wait3A = arith.constant 0 : i32
    %dma_wait3A_7 = arith.constant 0 : i32
    %dma_wait3A_8 = tpu.memref_slice %arg2[%dma_wait3A, %dma_wait3A_7] : memref<2048x1024xf32, #tpu.memory_space<hbm>> -> memref<2048x1024xf32, #tpu.memory_space<hbm>>
    tpu.wait_indirect_dma semaphore(%arg9 : memref<!tpu.dma_semaphore, #tpu.memory_space<semaphore_mem>>) src(%dma_wait3A_8 : memref<2048x1024xf32, #tpu.memory_space<hbm>>) dst(%arg8 : memref<64x1024xf32, #tpu.memory_space<vmem>>)
    %dma_start3A_9 = arith.constant 0 : i32
    %dma_start3A_10 = arith.constant 0 : i32
    %dma_start3A_11 = tpu.memref_slice %arg5[%dma_start3A_9, %dma_start3A_10] : memref<12288x1024xf32, #tpu.memory_space<hbm>> -> memref<12288x1024xf32, #tpu.memory_space<hbm>>
    tpu.enqueue_indirect_dma source(%arg8 : memref<64x1024xf32, #tpu.memory_space<vmem>>) target(%dma_start3A_11 : memref<12288x1024xf32, #tpu.memory_space<hbm>>) offsets(%arg7 : memref<64xi32, #tpu.memory_space<vmem>>) semaphore(%arg9 : memref<!tpu.dma_semaphore, #tpu.memory_space<semaphore_mem>>)
    %dma_wait3A_12 = arith.constant 0 : i32
    %dma_wait3A_13 = arith.constant 0 : i32
    %dma_wait3A_14 = tpu.memref_slice %arg5[%dma_wait3A_12, %dma_wait3A_13] : memref<12288x1024xf32, #tpu.memory_space<hbm>> -> memref<12288x1024xf32, #tpu.memory_space<hbm>>
    tpu.wait_indirect_dma semaphore(%arg9 : memref<!tpu.dma_semaphore, #tpu.memory_space<semaphore_mem>>) src(%arg8 : memref<64x1024xf32, #tpu.memory_space<vmem>>) dst(%dma_wait3A_14 : memref<12288x1024xf32, #tpu.memory_space<hbm>>)
    %add3A_15 = arith.constant 64 : i32
    %add3A_16 = arith.addi %mul3A_2, %add3A_15 : i32
    "tpu.region"() ({
      %run_scoped3A = tpu.sem_alloc : memref<!tpu.dma_semaphore, #tpu.memory_space<semaphore_mem>>
      %dma_start3A_29 = tpu.memref_slice %arg3[%add3A_16] : memref<4096xi32, #tpu.memory_space<hbm>> -> memref<64xi32, #tpu.memory_space<hbm>>
      %dma_start3A_30 = tpu.memref_slice %arg3[%add3A_16] : memref<4096xi32, #tpu.memory_space<hbm>> -> memref<64xi32, #tpu.memory_space<hbm>>
      tpu.enqueue_dma source(%dma_start3A_30 : memref<64xi32, #tpu.memory_space<hbm>>) target(%arg6 : memref<64xi32, #tpu.memory_space<vmem>>) target_semaphore(%run_scoped3A : memref<!tpu.dma_semaphore, #tpu.memory_space<semaphore_mem>>)
      %dma_wait3A_31 = tpu.memref_slice %arg3[%add3A_16] : memref<4096xi32, #tpu.memory_space<hbm>> -> memref<64xi32, #tpu.memory_space<hbm>>
      %dma_wait3A_32 = tpu.memref_slice %arg3[%add3A_16] : memref<4096xi32, #tpu.memory_space<hbm>> -> memref<64xi32, #tpu.memory_space<hbm>>
      tpu.wait_dma2 semaphore(%run_scoped3A : memref<!tpu.dma_semaphore, #tpu.memory_space<semaphore_mem>>) src(%dma_wait3A_32 : memref<64xi32, #tpu.memory_space<hbm>>) dst(%arg6 : memref<64xi32, #tpu.memory_space<vmem>>)
      tpu.yield
    }) : () -> ()
    "tpu.region"() ({
      %run_scoped3A = tpu.sem_alloc : memref<!tpu.dma_semaphore, #tpu.memory_space<semaphore_mem>>
      %dma_start3A_29 = tpu.memref_slice %arg4[%add3A_16] : memref<4096xi32, #tpu.memory_space<hbm>> -> memref<64xi32, #tpu.memory_space<hbm>>
      %dma_start3A_30 = tpu.memref_slice %arg4[%add3A_16] : memref<4096xi32, #tpu.memory_space<hbm>> -> memref<64xi32, #tpu.memory_space<hbm>>
      tpu.enqueue_dma source(%dma_start3A_30 : memref<64xi32, #tpu.memory_space<hbm>>) target(%arg7 : memref<64xi32, #tpu.memory_space<vmem>>) target_semaphore(%run_scoped3A : memref<!tpu.dma_semaphore, #tpu.memory_space<semaphore_mem>>)
      %dma_wait3A_31 = tpu.memref_slice %arg4[%add3A_16] : memref<4096xi32, #tpu.memory_space<hbm>> -> memref<64xi32, #tpu.memory_space<hbm>>
      %dma_wait3A_32 = tpu.memref_slice %arg4[%add3A_16] : memref<4096xi32, #tpu.memory_space<hbm>> -> memref<64xi32, #tpu.memory_space<hbm>>
      tpu.wait_dma2 semaphore(%run_scoped3A : memref<!tpu.dma_semaphore, #tpu.memory_space<semaphore_mem>>) src(%dma_wait3A_32 : memref<64xi32, #tpu.memory_space<hbm>>) dst(%arg7 : memref<64xi32, #tpu.memory_space<vmem>>)
      tpu.yield
    }) : () -> ()
    %dma_start3A_17 = arith.constant 0 : i32
    %dma_start3A_18 = arith.constant 0 : i32
    %dma_start3A_19 = tpu.memref_slice %arg2[%dma_start3A_17, %dma_start3A_18] : memref<2048x1024xf32, #tpu.memory_space<hbm>> -> memref<2048x1024xf32, #tpu.memory_space<hbm>>
    tpu.enqueue_indirect_dma source(%dma_start3A_19 : memref<2048x1024xf32, #tpu.memory_space<hbm>>) target(%arg8 : memref<64x1024xf32, #tpu.memory_space<vmem>>) offsets(%arg6 : memref<64xi32, #tpu.memory_space<vmem>>) semaphore(%arg9 : memref<!tpu.dma_semaphore, #tpu.memory_space<semaphore_mem>>)
    %dma_wait3A_20 = arith.constant 0 : i32
    %dma_wait3A_21 = arith.constant 0 : i32
    %dma_wait3A_22 = tpu.memref_slice %arg2[%dma_wait3A_20, %dma_wait3A_21] : memref<2048x1024xf32, #tpu.memory_space<hbm>> -> memref<2048x1024xf32, #tpu.memory_space<hbm>>
    tpu.wait_indirect_dma semaphore(%arg9 : memref<!tpu.dma_semaphore, #tpu.memory_space<semaphore_mem>>) src(%dma_wait3A_22 : memref<2048x1024xf32, #tpu.memory_space<hbm>>) dst(%arg8 : memref<64x1024xf32, #tpu.memory_space<vmem>>)
    %dma_start3A_23 = arith.constant 0 : i32
    %dma_start3A_24 = arith.constant 0 : i32
    %dma_start3A_25 = tpu.memref_slice %arg5[%dma_start3A_23, %dma_start3A_24] : memref<12288x1024xf32, #tpu.memory_space<hbm>> -> memref<12288x1024xf32, #tpu.memory_space<hbm>>
    tpu.enqueue_indirect_dma source(%arg8 : memref<64x1024xf32, #tpu.memory_space<vmem>>) target(%dma_start3A_25 : memref<12288x1024xf32, #tpu.memory_space<hbm>>) offsets(%arg7 : memref<64xi32, #tpu.memory_space<vmem>>) semaphore(%arg9 : memref<!tpu.dma_semaphore, #tpu.memory_space<semaphore_mem>>)
    %dma_wait3A_26 = arith.constant 0 : i32
    %dma_wait3A_27 = arith.constant 0 : i32
    %dma_wait3A_28 = tpu.memref_slice %arg5[%dma_wait3A_26, %dma_wait3A_27] : memref<12288x1024xf32, #tpu.memory_space<hbm>> -> memref<12288x1024xf32, #tpu.memory_space<hbm>>
    tpu.wait_indirect_dma semaphore(%arg9 : memref<!tpu.dma_semaphore, #tpu.memory_space<semaphore_mem>>) src(%arg8 : memref<64x1024xf32, #tpu.memory_space<vmem>>) dst(%dma_wait3A_28 : memref<12288x1024xf32, #tpu.memory_space<hbm>>)
    return
  }
}

#map = affine_map<(d0, d1) -> (0, 0)>
#map1 = affine_map<(d0, d1) -> (0)>
module attributes {stable_mosaic.version = 14 : i64} {
  func.func @gather_k(%arg0: i32, %arg1: i32, %arg2: memref<12288x1024xf32, #tpu.memory_space<hbm>>, %arg3: memref<4096xi32, #tpu.memory_space<hbm>>, %arg4: memref<4096x1024xf32, #tpu.memory_space<hbm>>, %arg5: memref<64xi32, #tpu.memory_space<vmem>>, %arg6: memref<64x1024xf32, #tpu.memory_space<vmem>>, %arg7: memref<!tpu.dma_semaphore, #tpu.memory_space<semaphore_mem>>) attributes {dimension_semantics = [#tpu.dimension_semantics<core_parallel>, #tpu.dimension_semantics<subcore_parallel>], iteration_bounds = array<i64: 2, 16>, scalar_prefetch = 0 : i64, scratch_operands = 3 : i64, tpu.core_type = #tpu.core_type<sc_vector_subcore>, window_params = [{transform_indices = #map}, {transform_indices = #map1}, {transform_indices = #map}]} {
    %mul3A = arith.constant 2 : i32
    %mul3A_0 = arith.muli %arg1, %mul3A : i32
    %add3A = arith.addi %mul3A_0, %arg0 : i32
    %mul3A_1 = arith.constant 128 : i32
    %mul3A_2 = arith.muli %add3A, %mul3A_1 : i32
    %add3A_3 = arith.constant 0 : i32
    %add3A_4 = arith.addi %mul3A_2, %add3A_3 : i32
    "tpu.region"() ({
      %run_scoped3A = tpu.sem_alloc : memref<!tpu.dma_semaphore, #tpu.memory_space<semaphore_mem>>
      %dma_start3A_17 = tpu.memref_slice %arg3[%add3A_4] : memref<4096xi32, #tpu.memory_space<hbm>> -> memref<64xi32, #tpu.memory_space<hbm>>
      %dma_start3A_18 = tpu.memref_slice %arg3[%add3A_4] : memref<4096xi32, #tpu.memory_space<hbm>> -> memref<64xi32, #tpu.memory_space<hbm>>
      tpu.enqueue_dma source(%dma_start3A_18 : memref<64xi32, #tpu.memory_space<hbm>>) target(%arg5 : memref<64xi32, #tpu.memory_space<vmem>>) target_semaphore(%run_scoped3A : memref<!tpu.dma_semaphore, #tpu.memory_space<semaphore_mem>>)
      %dma_wait3A_19 = tpu.memref_slice %arg3[%add3A_4] : memref<4096xi32, #tpu.memory_space<hbm>> -> memref<64xi32, #tpu.memory_space<hbm>>
      %dma_wait3A_20 = tpu.memref_slice %arg3[%add3A_4] : memref<4096xi32, #tpu.memory_space<hbm>> -> memref<64xi32, #tpu.memory_space<hbm>>
      tpu.wait_dma2 semaphore(%run_scoped3A : memref<!tpu.dma_semaphore, #tpu.memory_space<semaphore_mem>>) src(%dma_wait3A_20 : memref<64xi32, #tpu.memory_space<hbm>>) dst(%arg5 : memref<64xi32, #tpu.memory_space<vmem>>)
      tpu.yield
    }) : () -> ()
    %dma_start3A = arith.constant 0 : i32
    %dma_start3A_5 = arith.constant 0 : i32
    %dma_start3A_6 = tpu.memref_slice %arg2[%dma_start3A, %dma_start3A_5] : memref<12288x1024xf32, #tpu.memory_space<hbm>> -> memref<12288x1024xf32, #tpu.memory_space<hbm>>
    tpu.enqueue_indirect_dma source(%dma_start3A_6 : memref<12288x1024xf32, #tpu.memory_space<hbm>>) target(%arg6 : memref<64x1024xf32, #tpu.memory_space<vmem>>) offsets(%arg5 : memref<64xi32, #tpu.memory_space<vmem>>) semaphore(%arg7 : memref<!tpu.dma_semaphore, #tpu.memory_space<semaphore_mem>>)
    %dma_wait3A = arith.constant 0 : i32
    %dma_wait3A_7 = arith.constant 0 : i32
    %dma_wait3A_8 = tpu.memref_slice %arg2[%dma_wait3A, %dma_wait3A_7] : memref<12288x1024xf32, #tpu.memory_space<hbm>> -> memref<12288x1024xf32, #tpu.memory_space<hbm>>
    tpu.wait_indirect_dma semaphore(%arg7 : memref<!tpu.dma_semaphore, #tpu.memory_space<semaphore_mem>>) src(%dma_wait3A_8 : memref<12288x1024xf32, #tpu.memory_space<hbm>>) dst(%arg6 : memref<64x1024xf32, #tpu.memory_space<vmem>>)
    "tpu.region"() ({
      %run_scoped3A = tpu.sem_alloc : memref<!tpu.dma_semaphore, #tpu.memory_space<semaphore_mem>>
      %dma_start3A_17 = arith.constant 0 : i32
      %dma_start3A_18 = tpu.memref_slice %arg4[%add3A_4, %dma_start3A_17] : memref<4096x1024xf32, #tpu.memory_space<hbm>> -> memref<64x1024xf32, #tpu.memory_space<hbm>>
      %dma_start3A_19 = arith.constant 0 : i32
      %dma_start3A_20 = tpu.memref_slice %arg4[%add3A_4, %dma_start3A_19] : memref<4096x1024xf32, #tpu.memory_space<hbm>> -> memref<64x1024xf32, #tpu.memory_space<hbm>>
      tpu.enqueue_dma source(%arg6 : memref<64x1024xf32, #tpu.memory_space<vmem>>) target(%dma_start3A_20 : memref<64x1024xf32, #tpu.memory_space<hbm>>) target_semaphore(%run_scoped3A : memref<!tpu.dma_semaphore, #tpu.memory_space<semaphore_mem>>)
      %dma_wait3A_21 = arith.constant 0 : i32
      %dma_wait3A_22 = tpu.memref_slice %arg4[%add3A_4, %dma_wait3A_21] : memref<4096x1024xf32, #tpu.memory_space<hbm>> -> memref<64x1024xf32, #tpu.memory_space<hbm>>
      %dma_wait3A_23 = arith.constant 0 : i32
      %dma_wait3A_24 = tpu.memref_slice %arg4[%add3A_4, %dma_wait3A_23] : memref<4096x1024xf32, #tpu.memory_space<hbm>> -> memref<64x1024xf32, #tpu.memory_space<hbm>>
      tpu.wait_dma2 semaphore(%run_scoped3A : memref<!tpu.dma_semaphore, #tpu.memory_space<semaphore_mem>>) src(%arg6 : memref<64x1024xf32, #tpu.memory_space<vmem>>) dst(%dma_wait3A_24 : memref<64x1024xf32, #tpu.memory_space<hbm>>)
      tpu.yield
    }) : () -> ()
    %add3A_9 = arith.constant 64 : i32
    %add3A_10 = arith.addi %mul3A_2, %add3A_9 : i32
    "tpu.region"() ({
      %run_scoped3A = tpu.sem_alloc : memref<!tpu.dma_semaphore, #tpu.memory_space<semaphore_mem>>
      %dma_start3A_17 = tpu.memref_slice %arg3[%add3A_10] : memref<4096xi32, #tpu.memory_space<hbm>> -> memref<64xi32, #tpu.memory_space<hbm>>
      %dma_start3A_18 = tpu.memref_slice %arg3[%add3A_10] : memref<4096xi32, #tpu.memory_space<hbm>> -> memref<64xi32, #tpu.memory_space<hbm>>
      tpu.enqueue_dma source(%dma_start3A_18 : memref<64xi32, #tpu.memory_space<hbm>>) target(%arg5 : memref<64xi32, #tpu.memory_space<vmem>>) target_semaphore(%run_scoped3A : memref<!tpu.dma_semaphore, #tpu.memory_space<semaphore_mem>>)
      %dma_wait3A_19 = tpu.memref_slice %arg3[%add3A_10] : memref<4096xi32, #tpu.memory_space<hbm>> -> memref<64xi32, #tpu.memory_space<hbm>>
      %dma_wait3A_20 = tpu.memref_slice %arg3[%add3A_10] : memref<4096xi32, #tpu.memory_space<hbm>> -> memref<64xi32, #tpu.memory_space<hbm>>
      tpu.wait_dma2 semaphore(%run_scoped3A : memref<!tpu.dma_semaphore, #tpu.memory_space<semaphore_mem>>) src(%dma_wait3A_20 : memref<64xi32, #tpu.memory_space<hbm>>) dst(%arg5 : memref<64xi32, #tpu.memory_space<vmem>>)
      tpu.yield
    }) : () -> ()
    %dma_start3A_11 = arith.constant 0 : i32
    %dma_start3A_12 = arith.constant 0 : i32
    %dma_start3A_13 = tpu.memref_slice %arg2[%dma_start3A_11, %dma_start3A_12] : memref<12288x1024xf32, #tpu.memory_space<hbm>> -> memref<12288x1024xf32, #tpu.memory_space<hbm>>
    tpu.enqueue_indirect_dma source(%dma_start3A_13 : memref<12288x1024xf32, #tpu.memory_space<hbm>>) target(%arg6 : memref<64x1024xf32, #tpu.memory_space<vmem>>) offsets(%arg5 : memref<64xi32, #tpu.memory_space<vmem>>) semaphore(%arg7 : memref<!tpu.dma_semaphore, #tpu.memory_space<semaphore_mem>>)
    %dma_wait3A_14 = arith.constant 0 : i32
    %dma_wait3A_15 = arith.constant 0 : i32
    %dma_wait3A_16 = tpu.memref_slice %arg2[%dma_wait3A_14, %dma_wait3A_15] : memref<12288x1024xf32, #tpu.memory_space<hbm>> -> memref<12288x1024xf32, #tpu.memory_space<hbm>>
    tpu.wait_indirect_dma semaphore(%arg7 : memref<!tpu.dma_semaphore, #tpu.memory_space<semaphore_mem>>) src(%dma_wait3A_16 : memref<12288x1024xf32, #tpu.memory_space<hbm>>) dst(%arg6 : memref<64x1024xf32, #tpu.memory_space<vmem>>)
    "tpu.region"() ({
      %run_scoped3A = tpu.sem_alloc : memref<!tpu.dma_semaphore, #tpu.memory_space<semaphore_mem>>
      %dma_start3A_17 = arith.constant 0 : i32
      %dma_start3A_18 = tpu.memref_slice %arg4[%add3A_10, %dma_start3A_17] : memref<4096x1024xf32, #tpu.memory_space<hbm>> -> memref<64x1024xf32, #tpu.memory_space<hbm>>
      %dma_start3A_19 = arith.constant 0 : i32
      %dma_start3A_20 = tpu.memref_slice %arg4[%add3A_10, %dma_start3A_19] : memref<4096x1024xf32, #tpu.memory_space<hbm>> -> memref<64x1024xf32, #tpu.memory_space<hbm>>
      tpu.enqueue_dma source(%arg6 : memref<64x1024xf32, #tpu.memory_space<vmem>>) target(%dma_start3A_20 : memref<64x1024xf32, #tpu.memory_space<hbm>>) target_semaphore(%run_scoped3A : memref<!tpu.dma_semaphore, #tpu.memory_space<semaphore_mem>>)
      %dma_wait3A_21 = arith.constant 0 : i32
      %dma_wait3A_22 = tpu.memref_slice %arg4[%add3A_10, %dma_wait3A_21] : memref<4096x1024xf32, #tpu.memory_space<hbm>> -> memref<64x1024xf32, #tpu.memory_space<hbm>>
      %dma_wait3A_23 = arith.constant 0 : i32
      %dma_wait3A_24 = tpu.memref_slice %arg4[%add3A_10, %dma_wait3A_23] : memref<4096x1024xf32, #tpu.memory_space<hbm>> -> memref<64x1024xf32, #tpu.memory_space<hbm>>
      tpu.wait_dma2 semaphore(%run_scoped3A : memref<!tpu.dma_semaphore, #tpu.memory_space<semaphore_mem>>) src(%arg6 : memref<64x1024xf32, #tpu.memory_space<vmem>>) dst(%dma_wait3A_24 : memref<64x1024xf32, #tpu.memory_space<hbm>>)
      tpu.yield
    }) : () -> ()
    return
  }
}

module attributes {stable_mosaic.version = 14 : i64} {
  func.func @_routing_kernel(%arg0: i32, %arg1: memref<512x1024xf32, #tpu.memory_space<vmem>>, %arg2: memref<16x1024xf32, #tpu.memory_space<vmem>>, %arg3: memref<1x16xf32, #tpu.memory_space<vmem>>, %arg4: memref<512x2xi32, #tpu.memory_space<vmem>>, %arg5: memref<512x2xi32, #tpu.memory_space<vmem>>, %arg6: memref<512x2xf32, #tpu.memory_space<vmem>>, %arg7: memref<1x16xi32, #tpu.memory_space<vmem>>, %arg8: memref<1x16xf32, #tpu.memory_space<vmem>>) attributes {dimension_semantics = [#tpu.dimension_semantics<arbitrary>], iteration_bounds = array<i64: 4>, scalar_prefetch = 0 : i64, scratch_operands = 1 : i64, tpu.core_type = #tpu.core_type<tc>, window_params = [{transform_indices = @transform_0, window_bounds = array<i64: 512, 1024>}, {pipeline_mode = #tpu.pipeline_mode<synchronous>, transform_indices = @transform_1, window_bounds = array<i64: 16, 1024>}, {pipeline_mode = #tpu.pipeline_mode<synchronous>, transform_indices = @transform_2, window_bounds = array<i64: 1, 16>}, {transform_indices = @transform_3, window_bounds = array<i64: 512, 2>}, {transform_indices = @transform_4, window_bounds = array<i64: 512, 2>}, {transform_indices = @transform_5, window_bounds = array<i64: 512, 2>}, {pipeline_mode = #tpu.pipeline_mode<synchronous>, transform_indices = @transform_6, window_bounds = array<i64: 1, 16>}]} {
    %eq3A = arith.constant 0 : i32
    %eq3A_0 = arith.cmpi eq, %arg0, %eq3A : i32
    %convert_element_type3A = arith.extui %eq3A_0 : i1 to i32
    %cond3A = arith.constant 0 : i32
    %cond3A_1 = arith.cmpi ne, %convert_element_type3A, %cond3A : i32
    scf.if %cond3A_1 {
      %broadcast_in_dim3A_280 = arith.constant 0.000000e+00 : f32
      %broadcast_in_dim3A_281 = vector.broadcast %broadcast_in_dim3A_280 : f32 to vector<1x16xf32>
      %swap3A_282 = arith.constant 0 : index
      %swap3A_283 = arith.constant 0 : index
      %swap3A_284 = vector.load %arg8[%swap3A_282, %swap3A_283] : memref<1x16xf32, #tpu.memory_space<vmem>>, vector<1x16xf32>
      tpu.vector_store %arg8[%swap3A_282, %swap3A_283], %broadcast_in_dim3A_281 {strides = array<i32>} : memref<1x16xf32, #tpu.memory_space<vmem>>, vector<1x16xf32>,
    } else {
    }
    %get3A = arith.constant 0 : index
    %get3A_2 = arith.constant 0 : index
    %get3A_3 = vector.load %arg1[%get3A, %get3A_2] : memref<512x1024xf32, #tpu.memory_space<vmem>>, vector<512x1024xf32>
    %get3A_4 = arith.constant 0 : index
    %get3A_5 = arith.constant 0 : index
    %get3A_6 = vector.load %arg2[%get3A_4, %get3A_5] : memref<16x1024xf32, #tpu.memory_space<vmem>>, vector<16x1024xf32>
    %get3A_7 = arith.constant 0 : index
    %get3A_8 = arith.constant 0 : index
    %get3A_9 = vector.load %arg3[%get3A_7, %get3A_8] : memref<1x16xf32, #tpu.memory_space<vmem>>, vector<1x16xf32>
    %dot_general3A = arith.constant dense<0.000000e+00> : vector<512x16xf32>
    %dot_general3A_10 = tpu.matmul %get3A_3, %get3A_6, %dot_general3A {dimension_numbers = #tpu.dot_dimension_numbers<[1], [1], [0], [0], [0, 0, 1, 0], [], []>, transpose_lhs_hint = false} : vector<512x1024xf32>, vector<16x1024xf32>, vector<512x16xf32> -> vector<512x16xf32>
    %logistic3A = arith.negf %dot_general3A_10 : vector<512x16xf32>
    %logistic3A_11 = math.exp %logistic3A : vector<512x16xf32>
    %logistic3A_12 = arith.constant 1.000000e+00 : f32
    %logistic3A_13 = vector.broadcast %logistic3A_12 : f32 to vector<512x16xf32>
    %logistic3A_14 = arith.addf %logistic3A_13, %logistic3A_11 : vector<512x16xf32>
    %logistic3A_15 = arith.divf %logistic3A_13, %logistic3A_14 : vector<512x16xf32>
    %add3A = vector.broadcast %get3A_9 : vector<1x16xf32> to vector<512x16xf32>
    %add3A_16 = arith.addf %logistic3A_15, %add3A : vector<512x16xf32>
    %slice3A = vector.extract_strided_slice %add3A_16 {offsets = [0, 0], sizes = [512, 4], strides = [1, 1]} : vector<512x16xf32> to vector<512x4xf32>
    %slice3A_17 = vector.extract_strided_slice %slice3A {offsets = [0, 0], sizes = [512, 1], strides = [1, 1]} : vector<512x4xf32> to vector<512x1xf32>
    %slice3A_18 = vector.extract_strided_slice %slice3A {offsets = [0, 1], sizes = [512, 1], strides = [1, 1]} : vector<512x4xf32> to vector<512x1xf32>
    %slice3A_19 = vector.extract_strided_slice %slice3A {offsets = [0, 2], sizes = [512, 1], strides = [1, 1]} : vector<512x4xf32> to vector<512x1xf32>
    %slice3A_20 = vector.extract_strided_slice %slice3A {offsets = [0, 3], sizes = [512, 1], strides = [1, 1]} : vector<512x4xf32> to vector<512x1xf32>
    %max3A = arith.maximumf %slice3A_17, %slice3A_18 : vector<512x1xf32>
    %min3A = arith.minimumf %slice3A_17, %slice3A_18 : vector<512x1xf32>
    %max3A_21 = arith.maximumf %slice3A_19, %slice3A_20 : vector<512x1xf32>
    %min3A_22 = arith.minimumf %slice3A_19, %slice3A_20 : vector<512x1xf32>
    %max3A_23 = arith.maximumf %max3A, %max3A_21 : vector<512x1xf32>
    %min3A_24 = arith.minimumf %max3A, %max3A_21 : vector<512x1xf32>
    %max3A_25 = arith.maximumf %min3A, %min3A_22 : vector<512x1xf32>
    %max3A_26 = arith.maximumf %min3A_24, %max3A_25 : vector<512x1xf32>
    %add3A_27 = arith.addf %max3A_23, %max3A_26 : vector<512x1xf32>
    %slice3A_28 = vector.extract_strided_slice %add3A_16 {offsets = [0, 4], sizes = [512, 4], strides = [1, 1]} : vector<512x16xf32> to vector<512x4xf32>
    %slice3A_29 = vector.extract_strided_slice %slice3A_28 {offsets = [0, 0], sizes = [512, 1], strides = [1, 1]} : vector<512x4xf32> to vector<512x1xf32>
    %slice3A_30 = vector.extract_strided_slice %slice3A_28 {offsets = [0, 1], sizes = [512, 1], strides = [1, 1]} : vector<512x4xf32> to vector<512x1xf32>
    %slice3A_31 = vector.extract_strided_slice %slice3A_28 {offsets = [0, 2], sizes = [512, 1], strides = [1, 1]} : vector<512x4xf32> to vector<512x1xf32>
    %slice3A_32 = vector.extract_strided_slice %slice3A_28 {offsets = [0, 3], sizes = [512, 1], strides = [1, 1]} : vector<512x4xf32> to vector<512x1xf32>
    %max3A_33 = arith.maximumf %slice3A_29, %slice3A_30 : vector<512x1xf32>
    %min3A_34 = arith.minimumf %slice3A_29, %slice3A_30 : vector<512x1xf32>
    %max3A_35 = arith.maximumf %slice3A_31, %slice3A_32 : vector<512x1xf32>
    %min3A_36 = arith.minimumf %slice3A_31, %slice3A_32 : vector<512x1xf32>
    %max3A_37 = arith.maximumf %max3A_33, %max3A_35 : vector<512x1xf32>
    %min3A_38 = arith.minimumf %max3A_33, %max3A_35 : vector<512x1xf32>
    %max3A_39 = arith.maximumf %min3A_34, %min3A_36 : vector<512x1xf32>
    %max3A_40 = arith.maximumf %min3A_38, %max3A_39 : vector<512x1xf32>
    %add3A_41 = arith.addf %max3A_37, %max3A_40 : vector<512x1xf32>
    %slice3A_42 = vector.extract_strided_slice %add3A_16 {offsets = [0, 8], sizes = [512, 4], strides = [1, 1]} : vector<512x16xf32> to vector<512x4xf32>
    %slice3A_43 = vector.extract_strided_slice %slice3A_42 {offsets = [0, 0], sizes = [512, 1], strides = [1, 1]} : vector<512x4xf32> to vector<512x1xf32>
    %slice3A_44 = vector.extract_strided_slice %slice3A_42 {offsets = [0, 1], sizes = [512, 1], strides = [1, 1]} : vector<512x4xf32> to vector<512x1xf32>
    %slice3A_45 = vector.extract_strided_slice %slice3A_42 {offsets = [0, 2], sizes = [512, 1], strides = [1, 1]} : vector<512x4xf32> to vector<512x1xf32>
    %slice3A_46 = vector.extract_strided_slice %slice3A_42 {offsets = [0, 3], sizes = [512, 1], strides = [1, 1]} : vector<512x4xf32> to vector<512x1xf32>
    %max3A_47 = arith.maximumf %slice3A_43, %slice3A_44 : vector<512x1xf32>
    %min3A_48 = arith.minimumf %slice3A_43, %slice3A_44 : vector<512x1xf32>
    %max3A_49 = arith.maximumf %slice3A_45, %slice3A_46 : vector<512x1xf32>
    %min3A_50 = arith.minimumf %slice3A_45, %slice3A_46 : vector<512x1xf32>
    %max3A_51 = arith.maximumf %max3A_47, %max3A_49 : vector<512x1xf32>
    %min3A_52 = arith.minimumf %max3A_47, %max3A_49 : vector<512x1xf32>
    %max3A_53 = arith.maximumf %min3A_48, %min3A_50 : vector<512x1xf32>
    %max3A_54 = arith.maximumf %min3A_52, %max3A_53 : vector<512x1xf32>
    %add3A_55 = arith.addf %max3A_51, %max3A_54 : vector<512x1xf32>
    %slice3A_56 = vector.extract_strided_slice %add3A_16 {offsets = [0, 12], sizes = [512, 4], strides = [1, 1]} : vector<512x16xf32> to vector<512x4xf32>
    %slice3A_57 = vector.extract_strided_slice %slice3A_56 {offsets = [0, 0], sizes = [512, 1], strides = [1, 1]} : vector<512x4xf32> to vector<512x1xf32>
    %slice3A_58 = vector.extract_strided_slice %slice3A_56 {offsets = [0, 1], sizes = [512, 1], strides = [1, 1]} : vector<512x4xf32> to vector<512x1xf32>
    %slice3A_59 = vector.extract_strided_slice %slice3A_56 {offsets = [0, 2], sizes = [512, 1], strides = [1, 1]} : vector<512x4xf32> to vector<512x1xf32>
    %slice3A_60 = vector.extract_strided_slice %slice3A_56 {offsets = [0, 3], sizes = [512, 1], strides = [1, 1]} : vector<512x4xf32> to vector<512x1xf32>
    %max3A_61 = arith.maximumf %slice3A_57, %slice3A_58 : vector<512x1xf32>
    %min3A_62 = arith.minimumf %slice3A_57, %slice3A_58 : vector<512x1xf32>
    %max3A_63 = arith.maximumf %slice3A_59, %slice3A_60 : vector<512x1xf32>
    %min3A_64 = arith.minimumf %slice3A_59, %slice3A_60 : vector<512x1xf32>
    %max3A_65 = arith.maximumf %max3A_61, %max3A_63 : vector<512x1xf32>
    %min3A_66 = arith.minimumf %max3A_61, %max3A_63 : vector<512x1xf32>
    %max3A_67 = arith.maximumf %min3A_62, %min3A_64 : vector<512x1xf32>
    %max3A_68 = arith.maximumf %min3A_66, %max3A_67 : vector<512x1xf32>
    %add3A_69 = arith.addf %max3A_65, %max3A_68 : vector<512x1xf32>
    %max3A_70 = arith.maximumf %add3A_27, %add3A_41 : vector<512x1xf32>
    %min3A_71 = arith.minimumf %add3A_27, %add3A_41 : vector<512x1xf32>
    %max3A_72 = arith.maximumf %add3A_55, %add3A_69 : vector<512x1xf32>
    %min3A_73 = arith.minimumf %add3A_55, %add3A_69 : vector<512x1xf32>
    %min3A_74 = arith.minimumf %max3A_70, %max3A_72 : vector<512x1xf32>
    %max3A_75 = arith.maximumf %min3A_71, %min3A_73 : vector<512x1xf32>
    %max3A_76 = arith.maximumf %min3A_74, %max3A_75 : vector<512x1xf32>
    %iota3A = tpu.iota {dimensions = array<i32: 1>} : vector<512x16xi32>
    %jit3A = arith.constant 4 : i32
    %div3A = vector.broadcast %jit3A : i32 to vector<512x16xi32>
    %div3A_77 = arith.divsi %iota3A, %div3A : vector<512x16xi32>
    %sign3A = arith.constant 0 : i32
    %sign3A_78 = vector.broadcast %sign3A : i32 to vector<512x16xi32>
    %sign3A_79 = arith.cmpi sgt, %iota3A, %sign3A_78 : vector<512x16xi32>
    %sign3A_80 = arith.extui %sign3A_79 : vector<512x16xi1> to vector<512x16xi32>
    %sign3A_81 = arith.constant 0 : i32
    %sign3A_82 = vector.broadcast %sign3A_81 : i32 to vector<512x16xi32>
    %sign3A_83 = arith.cmpi slt, %iota3A, %sign3A_82 : vector<512x16xi32>
    %sign3A_84 = arith.extui %sign3A_83 : vector<512x16xi1> to vector<512x16xi32>
    %sign3A_85 = arith.subi %sign3A_80, %sign3A_84 : vector<512x16xi32>
    %sign3A_86 = arith.constant 0 : i32
    %sign3A_87 = arith.cmpi sgt, %jit3A, %sign3A_86 : i32
    %sign3A_88 = arith.extui %sign3A_87 : i1 to i32
    %sign3A_89 = arith.constant 0 : i32
    %sign3A_90 = arith.cmpi slt, %jit3A, %sign3A_89 : i32
    %sign3A_91 = arith.extui %sign3A_90 : i1 to i32
    %sign3A_92 = arith.subi %sign3A_88, %sign3A_91 : i32
    %ne3A = vector.broadcast %sign3A_92 : i32 to vector<512x16xi32>
    %ne3A_93 = arith.cmpi ne, %sign3A_85, %ne3A : vector<512x16xi32>
    %rem3A = vector.broadcast %jit3A : i32 to vector<512x16xi32>
    %rem3A_94 = arith.remsi %iota3A, %rem3A : vector<512x16xi32>
    %ne3A_95 = arith.constant 0 : i32
    %ne3A_96 = vector.broadcast %ne3A_95 : i32 to vector<512x16xi32>
    %ne3A_97 = arith.cmpi ne, %rem3A_94, %ne3A_96 : vector<512x16xi32>
    %and3A = arith.andi %ne3A_93, %ne3A_97 : vector<512x16xi1>
    %sub3A = arith.constant 1 : i32
    %sub3A_98 = vector.broadcast %sub3A : i32 to vector<512x16xi32>
    %sub3A_99 = arith.subi %div3A_77, %sub3A_98 : vector<512x16xi32>
    %select_n3A = arith.select %and3A, %sub3A_99, %div3A_77 : vector<512x16xi1>, vector<512x16xi32>
    %broadcast_in_dim3A = arith.constant 0.000000e+00 : f32
    %broadcast_in_dim3A_100 = vector.broadcast %broadcast_in_dim3A : f32 to vector<512x16xf32>
    %eq3A_101 = arith.constant 0 : i32
    %eq3A_102 = vector.broadcast %eq3A_101 : i32 to vector<512x16xi32>
    %eq3A_103 = arith.cmpi eq, %select_n3A, %eq3A_102 : vector<512x16xi32>
    %jit3A_104 = arith.constant 1.000000e+00 : f32
    %jit3A_105 = arith.constant 0.000000e+00 : f32
    %broadcast_in_dim3A_106 = vector.broadcast %jit3A_104 : f32 to vector<512x16xf32>
    %broadcast_in_dim3A_107 = vector.broadcast %jit3A_105 : f32 to vector<512x16xf32>
    %select_n3A_108 = arith.select %eq3A_103, %broadcast_in_dim3A_106, %broadcast_in_dim3A_107 : vector<512x16xi1>, vector<512x16xf32>
    %ge3A = arith.cmpf oge, %add3A_27, %max3A_76 : vector<512x1xf32>
    %convert_element_type3A_109 = arith.extui %ge3A : vector<512x1xi1> to vector<512x1xi32>
    %convert_element_type3A_110 = arith.sitofp %convert_element_type3A_109 : vector<512x1xi32> to vector<512x1xf32>
    %mul3A = vector.broadcast %convert_element_type3A_110 : vector<512x1xf32> to vector<512x16xf32>
    %mul3A_111 = arith.mulf %select_n3A_108, %mul3A : vector<512x16xf32>
    %add3A_112 = arith.addf %broadcast_in_dim3A_100, %mul3A_111 : vector<512x16xf32>
    %eq3A_113 = arith.constant 1 : i32
    %eq3A_114 = vector.broadcast %eq3A_113 : i32 to vector<512x16xi32>
    %eq3A_115 = arith.cmpi eq, %select_n3A, %eq3A_114 : vector<512x16xi32>
    %jit3A_116 = arith.constant 1.000000e+00 : f32
    %jit3A_117 = arith.constant 0.000000e+00 : f32
    %broadcast_in_dim3A_118 = vector.broadcast %jit3A_116 : f32 to vector<512x16xf32>
    %broadcast_in_dim3A_119 = vector.broadcast %jit3A_117 : f32 to vector<512x16xf32>
    %select_n3A_120 = arith.select %eq3A_115, %broadcast_in_dim3A_118, %broadcast_in_dim3A_119 : vector<512x16xi1>, vector<512x16xf32>
    %ge3A_121 = arith.cmpf oge, %add3A_41, %max3A_76 : vector<512x1xf32>
    %convert_element_type3A_122 = arith.extui %ge3A_121 : vector<512x1xi1> to vector<512x1xi32>
    %convert_element_type3A_123 = arith.sitofp %convert_element_type3A_122 : vector<512x1xi32> to vector<512x1xf32>
    %mul3A_124 = vector.broadcast %convert_element_type3A_123 : vector<512x1xf32> to vector<512x16xf32>
    %mul3A_125 = arith.mulf %select_n3A_120, %mul3A_124 : vector<512x16xf32>
    %add3A_126 = arith.addf %add3A_112, %mul3A_125 : vector<512x16xf32>
    %eq3A_127 = arith.constant 2 : i32
    %eq3A_128 = vector.broadcast %eq3A_127 : i32 to vector<512x16xi32>
    %eq3A_129 = arith.cmpi eq, %select_n3A, %eq3A_128 : vector<512x16xi32>
    %jit3A_130 = arith.constant 1.000000e+00 : f32
    %jit3A_131 = arith.constant 0.000000e+00 : f32
    %broadcast_in_dim3A_132 = vector.broadcast %jit3A_130 : f32 to vector<512x16xf32>
    %broadcast_in_dim3A_133 = vector.broadcast %jit3A_131 : f32 to vector<512x16xf32>
    %select_n3A_134 = arith.select %eq3A_129, %broadcast_in_dim3A_132, %broadcast_in_dim3A_133 : vector<512x16xi1>, vector<512x16xf32>
    %ge3A_135 = arith.cmpf oge, %add3A_55, %max3A_76 : vector<512x1xf32>
    %convert_element_type3A_136 = arith.extui %ge3A_135 : vector<512x1xi1> to vector<512x1xi32>
    %convert_element_type3A_137 = arith.sitofp %convert_element_type3A_136 : vector<512x1xi32> to vector<512x1xf32>
    %mul3A_138 = vector.broadcast %convert_element_type3A_137 : vector<512x1xf32> to vector<512x16xf32>
    %mul3A_139 = arith.mulf %select_n3A_134, %mul3A_138 : vector<512x16xf32>
    %add3A_140 = arith.addf %add3A_126, %mul3A_139 : vector<512x16xf32>
    %eq3A_141 = arith.constant 3 : i32
    %eq3A_142 = vector.broadcast %eq3A_141 : i32 to vector<512x16xi32>
    %eq3A_143 = arith.cmpi eq, %select_n3A, %eq3A_142 : vector<512x16xi32>
    %jit3A_144 = arith.constant 1.000000e+00 : f32
    %jit3A_145 = arith.constant 0.000000e+00 : f32
    %broadcast_in_dim3A_146 = vector.broadcast %jit3A_144 : f32 to vector<512x16xf32>
    %broadcast_in_dim3A_147 = vector.broadcast %jit3A_145 : f32 to vector<512x16xf32>
    %select_n3A_148 = arith.select %eq3A_143, %broadcast_in_dim3A_146, %broadcast_in_dim3A_147 : vector<512x16xi1>, vector<512x16xf32>
    %ge3A_149 = arith.cmpf oge, %add3A_69, %max3A_76 : vector<512x1xf32>
    %convert_element_type3A_150 = arith.extui %ge3A_149 : vector<512x1xi1> to vector<512x1xi32>
    %convert_element_type3A_151 = arith.sitofp %convert_element_type3A_150 : vector<512x1xi32> to vector<512x1xf32>
    %mul3A_152 = vector.broadcast %convert_element_type3A_151 : vector<512x1xf32> to vector<512x16xf32>
    %mul3A_153 = arith.mulf %select_n3A_148, %mul3A_152 : vector<512x16xf32>
    %add3A_154 = arith.addf %add3A_140, %mul3A_153 : vector<512x16xf32>
    %gt3A = arith.constant 0.000000e+00 : f32
    %gt3A_155 = vector.broadcast %gt3A : f32 to vector<512x16xf32>
    %gt3A_156 = arith.cmpf ogt, %add3A_154, %gt3A_155 : vector<512x16xf32>
    %jit3A_157 = arith.constant 0.000000e+00 : f32
    %broadcast_in_dim3A_158 = vector.broadcast %jit3A_157 : f32 to vector<512x16xf32>
    %select_n3A_159 = arith.select %gt3A_156, %add3A_16, %broadcast_in_dim3A_158 : vector<512x16xi1>, vector<512x16xf32>
    %reduce_max3A = arith.constant dense<0xFF800000> : vector<512xf32>
    %reduce_max3A_160 = vector.multi_reduction <maximumf>, %select_n3A_159, %reduce_max3A [1] : vector<512x16xf32> to vector<512xf32>
    %broadcast_in_dim3A_161 = vector.shape_cast %reduce_max3A_160 : vector<512xf32> to vector<512x1xf32>
    %eq3A_162 = vector.broadcast %broadcast_in_dim3A_161 : vector<512x1xf32> to vector<512x16xf32>
    %eq3A_163 = arith.cmpf oeq, %select_n3A_159, %eq3A_162 : vector<512x16xf32>
    %jit3A_164 = arith.constant 16 : i32
    %broadcast_in_dim3A_165 = vector.broadcast %jit3A_164 : i32 to vector<512x16xi32>
    %select_n3A_166 = arith.select %eq3A_163, %iota3A, %broadcast_in_dim3A_165 : vector<512x16xi1>, vector<512x16xi32>
    %reduce_min3A = arith.constant dense<2147483647> : vector<512xi32>
    %reduce_min3A_167 = vector.multi_reduction <minsi>, %select_n3A_166, %reduce_min3A [1] : vector<512x16xi32> to vector<512xi32>
    %broadcast_in_dim3A_168 = vector.shape_cast %reduce_min3A_167 : vector<512xi32> to vector<512x1xi32>
    %eq3A_169 = vector.broadcast %broadcast_in_dim3A_168 : vector<512x1xi32> to vector<512x16xi32>
    %eq3A_170 = arith.cmpi eq, %iota3A, %eq3A_169 : vector<512x16xi32>
    %jit3A_171 = arith.constant -1.000000e+30 : f32
    %broadcast_in_dim3A_172 = vector.broadcast %jit3A_171 : f32 to vector<512x16xf32>
    %select_n3A_173 = arith.select %eq3A_170, %broadcast_in_dim3A_172, %select_n3A_159 : vector<512x16xi1>, vector<512x16xf32>
    %reduce_max3A_174 = arith.constant dense<0xFF800000> : vector<512xf32>
    %reduce_max3A_175 = vector.multi_reduction <maximumf>, %select_n3A_173, %reduce_max3A_174 [1] : vector<512x16xf32> to vector<512xf32>
    %broadcast_in_dim3A_176 = vector.shape_cast %reduce_max3A_175 : vector<512xf32> to vector<512x1xf32>
    %eq3A_177 = vector.broadcast %broadcast_in_dim3A_176 : vector<512x1xf32> to vector<512x16xf32>
    %eq3A_178 = arith.cmpf oeq, %select_n3A_173, %eq3A_177 : vector<512x16xf32>
    %jit3A_179 = arith.constant 16 : i32
    %broadcast_in_dim3A_180 = vector.broadcast %jit3A_179 : i32 to vector<512x16xi32>
    %select_n3A_181 = arith.select %eq3A_178, %iota3A, %broadcast_in_dim3A_180 : vector<512x16xi1>, vector<512x16xi32>
    %reduce_min3A_182 = arith.constant dense<2147483647> : vector<512xi32>
    %reduce_min3A_183 = vector.multi_reduction <minsi>, %select_n3A_181, %reduce_min3A_182 [1] : vector<512x16xi32> to vector<512xi32>
    %broadcast_in_dim3A_184 = vector.shape_cast %reduce_min3A_183 : vector<512xi32> to vector<512x1xi32>
    %eq3A_185 = vector.broadcast %broadcast_in_dim3A_184 : vector<512x1xi32> to vector<512x16xi32>
    %eq3A_186 = arith.cmpi eq, %iota3A, %eq3A_185 : vector<512x16xi32>
    %jit3A_187 = arith.constant 0.000000e+00 : f32
    %broadcast_in_dim3A_188 = vector.broadcast %jit3A_187 : f32 to vector<512x16xf32>
    %select_n3A_189 = arith.select %eq3A_170, %logistic3A_15, %broadcast_in_dim3A_188 : vector<512x16xi1>, vector<512x16xf32>
    %reduce_sum3A = arith.constant dense<0.000000e+00> : vector<512xf32>
    %reduce_sum3A_190 = vector.multi_reduction <add>, %select_n3A_189, %reduce_sum3A [1] : vector<512x16xf32> to vector<512xf32>
    %broadcast_in_dim3A_191 = vector.shape_cast %reduce_sum3A_190 : vector<512xf32> to vector<512x1xf32>
    %jit3A_192 = arith.constant 0.000000e+00 : f32
    %broadcast_in_dim3A_193 = vector.broadcast %jit3A_192 : f32 to vector<512x16xf32>
    %select_n3A_194 = arith.select %eq3A_186, %logistic3A_15, %broadcast_in_dim3A_193 : vector<512x16xi1>, vector<512x16xf32>
    %reduce_sum3A_195 = arith.constant dense<0.000000e+00> : vector<512xf32>
    %reduce_sum3A_196 = vector.multi_reduction <add>, %select_n3A_194, %reduce_sum3A_195 [1] : vector<512x16xf32> to vector<512xf32>
    %broadcast_in_dim3A_197 = vector.shape_cast %reduce_sum3A_196 : vector<512xf32> to vector<512x1xf32>
    %add3A_198 = arith.addf %broadcast_in_dim3A_191, %broadcast_in_dim3A_197 : vector<512x1xf32>
    %add3A_199 = arith.constant 9.99999968E-21 : f32
    %add3A_200 = vector.broadcast %add3A_199 : f32 to vector<512x1xf32>
    %add3A_201 = arith.addf %add3A_198, %add3A_200 : vector<512x1xf32>
    %mul3A_202 = arith.constant 2.500000e+00 : f32
    %mul3A_203 = vector.broadcast %mul3A_202 : f32 to vector<512x1xf32>
    %mul3A_204 = arith.mulf %mul3A_203, %broadcast_in_dim3A_191 : vector<512x1xf32>
    %div3A_205 = arith.divf %mul3A_204, %add3A_201 : vector<512x1xf32>
    %mul3A_206 = arith.constant 2.500000e+00 : f32
    %mul3A_207 = vector.broadcast %mul3A_206 : f32 to vector<512x1xf32>
    %mul3A_208 = arith.mulf %mul3A_207, %broadcast_in_dim3A_197 : vector<512x1xf32>
    %div3A_209 = arith.divf %mul3A_208, %add3A_201 : vector<512x1xf32>
    %iota3A_210 = tpu.iota {dimensions = array<i32: 1>} : vector<512x16xi32>
    %jit3A_211 = arith.constant 0 : i32
    %broadcast_in_dim3A_212 = vector.broadcast %jit3A_211 : i32 to vector<512x16xi32>
    %select_n3A_213 = arith.select %eq3A_170, %iota3A_210, %broadcast_in_dim3A_212 : vector<512x16xi1>, vector<512x16xi32>
    %reduce_sum3A_214 = arith.constant dense<0> : vector<512xi32>
    %reduce_sum3A_215 = vector.multi_reduction <add>, %select_n3A_213, %reduce_sum3A_214 [1] : vector<512x16xi32> to vector<512xi32>
    %broadcast_in_dim3A_216 = vector.shape_cast %reduce_sum3A_215 : vector<512xi32> to vector<512x1xi32>
    %jit3A_217 = arith.constant 0 : i32
    %broadcast_in_dim3A_218 = vector.broadcast %jit3A_217 : i32 to vector<512x16xi32>
    %select_n3A_219 = arith.select %eq3A_186, %iota3A_210, %broadcast_in_dim3A_218 : vector<512x16xi1>, vector<512x16xi32>
    %reduce_sum3A_220 = arith.constant dense<0> : vector<512xi32>
    %reduce_sum3A_221 = vector.multi_reduction <add>, %select_n3A_219, %reduce_sum3A_220 [1] : vector<512x16xi32> to vector<512xi32>
    %broadcast_in_dim3A_222 = vector.shape_cast %reduce_sum3A_221 : vector<512xi32> to vector<512x1xi32>
    %convert_element_type3A_223 = arith.extui %eq3A_170 : vector<512x16xi1> to vector<512x16xi32>
    %convert_element_type3A_224 = arith.sitofp %convert_element_type3A_223 : vector<512x16xi32> to vector<512x16xf32>
    %convert_element_type3A_225 = arith.extui %eq3A_186 : vector<512x16xi1> to vector<512x16xi32>
    %convert_element_type3A_226 = arith.sitofp %convert_element_type3A_225 : vector<512x16xi32> to vector<512x16xf32>
    %add3A_227 = arith.addf %convert_element_type3A_224, %convert_element_type3A_226 : vector<512x16xf32>
    %iota3A_228 = tpu.iota {dimensions = array<i32: 0>} : vector<512x512xi32>
    %iota3A_229 = tpu.iota {dimensions = array<i32: 1>} : vector<512x512xi32>
    %gt3A_230 = arith.cmpi sgt, %iota3A_228, %iota3A_229 : vector<512x512xi32>
    %jit3A_231 = arith.constant 1.000000e+00 : f32
    %jit3A_232 = arith.constant 0.000000e+00 : f32
    %broadcast_in_dim3A_233 = vector.broadcast %jit3A_231 : f32 to vector<512x512xf32>
    %broadcast_in_dim3A_234 = vector.broadcast %jit3A_232 : f32 to vector<512x512xf32>
    %select_n3A_235 = arith.select %gt3A_230, %broadcast_in_dim3A_233, %broadcast_in_dim3A_234 : vector<512x512xi1>, vector<512x512xf32>
    %dot_general3A_236 = arith.constant dense<0.000000e+00> : vector<512x16xf32>
    %dot_general3A_237 = tpu.matmul %select_n3A_235, %add3A_227, %dot_general3A_236 {dimension_numbers = #tpu.dot_dimension_numbers<[1], [0], [0], [1], [0, 0, 1, 1], [], []>, transpose_lhs_hint = false} : vector<512x512xf32>, vector<512x16xf32>, vector<512x16xf32> -> vector<512x16xf32>
    %get3A_238 = arith.constant 0 : index
    %get3A_239 = arith.constant 0 : index
    %get3A_240 = vector.load %arg8[%get3A_238, %get3A_239] : memref<1x16xf32, #tpu.memory_space<vmem>>, vector<1x16xf32>
    %add3A_241 = vector.broadcast %get3A_240 : vector<1x16xf32> to vector<512x16xf32>
    %add3A_242 = arith.addf %add3A_241, %dot_general3A_237 : vector<512x16xf32>
    %jit3A_243 = arith.constant 0.000000e+00 : f32
    %broadcast_in_dim3A_244 = vector.broadcast %jit3A_243 : f32 to vector<512x16xf32>
    %select_n3A_245 = arith.select %eq3A_170, %add3A_242, %broadcast_in_dim3A_244 : vector<512x16xi1>, vector<512x16xf32>
    %reduce_sum3A_246 = arith.constant dense<0.000000e+00> : vector<512xf32>
    %reduce_sum3A_247 = vector.multi_reduction <add>, %select_n3A_245, %reduce_sum3A_246 [1] : vector<512x16xf32> to vector<512xf32>
    %broadcast_in_dim3A_248 = vector.shape_cast %reduce_sum3A_247 : vector<512xf32> to vector<512x1xf32>
    %jit3A_249 = arith.constant 0.000000e+00 : f32
    %broadcast_in_dim3A_250 = vector.broadcast %jit3A_249 : f32 to vector<512x16xf32>
    %select_n3A_251 = arith.select %eq3A_186, %add3A_242, %broadcast_in_dim3A_250 : vector<512x16xi1>, vector<512x16xf32>
    %reduce_sum3A_252 = arith.constant dense<0.000000e+00> : vector<512xf32>
    %reduce_sum3A_253 = vector.multi_reduction <add>, %select_n3A_251, %reduce_sum3A_252 [1] : vector<512x16xf32> to vector<512xf32>
    %broadcast_in_dim3A_254 = vector.shape_cast %reduce_sum3A_253 : vector<512xf32> to vector<512x1xf32>
    %get3A_255 = arith.constant 0 : index
    %get3A_256 = arith.constant 0 : index
    %get3A_257 = vector.load %arg8[%get3A_255, %get3A_256] : memref<1x16xf32, #tpu.memory_space<vmem>>, vector<1x16xf32>
    %reduce_sum3A_258 = arith.constant dense<0.000000e+00> : vector<16xf32>
    %reduce_sum3A_259 = vector.multi_reduction <add>, %add3A_227, %reduce_sum3A_258 [0] : vector<512x16xf32> to vector<16xf32>
    %broadcast_in_dim3A_260 = vector.shape_cast %reduce_sum3A_259 : vector<16xf32> to vector<1x16xf32>
    %add3A_261 = arith.addf %get3A_257, %broadcast_in_dim3A_260 : vector<1x16xf32>
    %swap3A = arith.constant 0 : index
    %swap3A_262 = arith.constant 0 : index
    %swap3A_263 = vector.load %arg8[%swap3A, %swap3A_262] : memref<1x16xf32, #tpu.memory_space<vmem>>, vector<1x16xf32>
    tpu.vector_store %arg8[%swap3A, %swap3A_262], %add3A_261 {strides = array<i32>} : memref<1x16xf32, #tpu.memory_space<vmem>>, vector<1x16xf32>,
    %concatenate3A = tpu.concatenate %broadcast_in_dim3A_216, %broadcast_in_dim3A_222 in 1 : vector<512x1xi32>, vector<512x1xi32> -> vector<512x2xi32>
    %swap3A_264 = arith.constant 0 : index
    %swap3A_265 = arith.constant 0 : index
    %swap3A_266 = vector.load %arg4[%swap3A_264, %swap3A_265] : memref<512x2xi32, #tpu.memory_space<vmem>>, vector<512x2xi32>
    tpu.vector_store %arg4[%swap3A_264, %swap3A_265], %concatenate3A {strides = array<i32>} : memref<512x2xi32, #tpu.memory_space<vmem>>, vector<512x2xi32>,
    %concatenate3A_267 = tpu.concatenate %broadcast_in_dim3A_248, %broadcast_in_dim3A_254 in 1 : vector<512x1xf32>, vector<512x1xf32> -> vector<512x2xf32>
    %convert_element_type3A_268 = arith.fptosi %concatenate3A_267 : vector<512x2xf32> to vector<512x2xi32>
    %swap3A_269 = arith.constant 0 : index
    %swap3A_270 = arith.constant 0 : index
    %swap3A_271 = vector.load %arg5[%swap3A_269, %swap3A_270] : memref<512x2xi32, #tpu.memory_space<vmem>>, vector<512x2xi32>
    tpu.vector_store %arg5[%swap3A_269, %swap3A_270], %convert_element_type3A_268 {strides = array<i32>} : memref<512x2xi32, #tpu.memory_space<vmem>>, vector<512x2xi32>,
    %concatenate3A_272 = tpu.concatenate %div3A_205, %div3A_209 in 1 : vector<512x1xf32>, vector<512x1xf32> -> vector<512x2xf32>
    %swap3A_273 = arith.constant 0 : index
    %swap3A_274 = arith.constant 0 : index
    %swap3A_275 = vector.load %arg6[%swap3A_273, %swap3A_274] : memref<512x2xf32, #tpu.memory_space<vmem>>, vector<512x2xf32>
    tpu.vector_store %arg6[%swap3A_273, %swap3A_274], %concatenate3A_272 {strides = array<i32>} : memref<512x2xf32, #tpu.memory_space<vmem>>, vector<512x2xf32>,
    %convert_element_type3A_276 = arith.fptosi %add3A_261 : vector<1x16xf32> to vector<1x16xi32>
    %swap3A_277 = arith.constant 0 : index
    %swap3A_278 = arith.constant 0 : index
    %swap3A_279 = vector.load %arg7[%swap3A_277, %swap3A_278] : memref<1x16xi32, #tpu.memory_space<vmem>>, vector<1x16xi32>
    tpu.vector_store %arg7[%swap3A_277, %swap3A_278], %convert_element_type3A_276 {strides = array<i32>} : memref<1x16xi32, #tpu.memory_space<vmem>>, vector<1x16xi32>,
    return
  }
  func.func @transform_0(%arg0: i32) -> (i32, i32) {
    %c0_i32 = arith.constant 0 : i32
    %c0_i32_0 = arith.constant 0 : i32
    return %arg0, %c0_i32 : i32, i32
  }
  func.func @transform_1(%arg0: i32) -> (i32, i32) {
    %c0_i32 = arith.constant 0 : i32
    %c0_i32_0 = arith.constant 0 : i32
    %c0_i32_1 = arith.constant 0 : i32
    return %c0_i32, %c0_i32_0 : i32, i32
  }
  func.func @transform_2(%arg0: i32) -> (i32, i32) {
    %c0_i32 = arith.constant 0 : i32
    %c0_i32_0 = arith.constant 0 : i32
    %c0_i32_1 = arith.constant 0 : i32
    return %c0_i32, %c0_i32_0 : i32, i32
  }
  func.func @transform_3(%arg0: i32) -> (i32, i32) {
    %c0_i32 = arith.constant 0 : i32
    %c0_i32_0 = arith.constant 0 : i32
    return %arg0, %c0_i32 : i32, i32
  }
  func.func @transform_4(%arg0: i32) -> (i32, i32) {
    %c0_i32 = arith.constant 0 : i32
    %c0_i32_0 = arith.constant 0 : i32
    return %arg0, %c0_i32 : i32, i32
  }
  func.func @transform_5(%arg0: i32) -> (i32, i32) {
    %c0_i32 = arith.constant 0 : i32
    %c0_i32_0 = arith.constant 0 : i32
    return %arg0, %c0_i32 : i32, i32
  }
  func.func @transform_6(%arg0: i32) -> (i32, i32) {
    %c0_i32 = arith.constant 0 : i32
    %c0_i32_0 = arith.constant 0 : i32
    %c0_i32_1 = arith.constant 0 : i32
    return %c0_i32, %c0_i32_0 : i32, i32
  }
}

module attributes {stable_mosaic.version = 14 : i64} {
  func.func @_grouped_mlp_kernel(%arg0: i32, %arg1: memref<24xi32, #tpu.memory_space<smem>>, %arg2: memref<24xi32, #tpu.memory_space<smem>>, %arg3: memref<512x1024xf32, #tpu.memory_space<vmem>>, %arg4: memref<1x512x1024xf32, #tpu.memory_space<vmem>>, %arg5: memref<1x1024x512xf32, #tpu.memory_space<vmem>>, %arg6: memref<512x1024xf32, #tpu.memory_space<vmem>>) attributes {dimension_semantics = [#tpu.dimension_semantics<arbitrary>], iteration_bounds = array<i64: 24>, scalar_prefetch = 2 : i64, scratch_operands = 0 : i64, tpu.core_type = #tpu.core_type<tc>, window_params = [{transform_indices = @transform_0, window_bounds = array<i64: 512, 1024>}, {transform_indices = @transform_1, window_bounds = array<i64: 1, 512, 1024>}, {transform_indices = @transform_2, window_bounds = array<i64: 1, 1024, 512>}, {transform_indices = @transform_3, window_bounds = array<i64: 512, 1024>}]} {
    %get3A = arith.index_cast %arg0 : i32 to index
    %get3A_0 = memref.load %arg2[%get3A] : memref<24xi32, #tpu.memory_space<smem>>
    %eq3A = arith.constant 1 : i32
    %eq3A_1 = arith.cmpi eq, %get3A_0, %eq3A : i32
    %convert_element_type3A = arith.extui %eq3A_1 : i1 to i32
    %cond3A = arith.constant 0 : i32
    %cond3A_2 = arith.cmpi ne, %convert_element_type3A, %cond3A : i32
    scf.if %cond3A_2 {
      %get3A_3 = arith.constant 0 : index
      %get3A_4 = arith.constant 0 : index
      %get3A_5 = vector.load %arg3[%get3A_3, %get3A_4] : memref<512x1024xf32, #tpu.memory_space<vmem>>, vector<512x1024xf32>
      %convert_element_type3A_6 = arith.truncf %get3A_5 : vector<512x1024xf32> to vector<512x1024xbf16>
      %get3A_7 = arith.constant 0 : index
      %get3A_8 = arith.constant 0 : index
      %get3A_9 = arith.constant 0 : index
      %get3A_10 = vector.load %arg4[%get3A_7, %get3A_8, %get3A_9] : memref<1x512x1024xf32, #tpu.memory_space<vmem>>, vector<1x512x1024xf32>
      %get3A_11 = vector.shape_cast %get3A_10 : vector<1x512x1024xf32> to vector<512x1024xf32>
      %convert_element_type3A_12 = arith.truncf %get3A_11 : vector<512x1024xf32> to vector<512x1024xbf16>
      %dot_general3A = arith.constant dense<0.000000e+00> : vector<512x512xf32>
      %dot_general3A_13 = tpu.matmul %convert_element_type3A_6, %convert_element_type3A_12, %dot_general3A {dimension_numbers = #tpu.dot_dimension_numbers<[1], [1], [0], [0], [0, 0, 1, 0], [], []>, transpose_lhs_hint = false} : vector<512x1024xbf16>, vector<512x1024xbf16>, vector<512x512xf32> -> vector<512x512xf32>
      %max3A = arith.constant 0.000000e+00 : f32
      %max3A_14 = vector.broadcast %max3A : f32 to vector<512x512xf32>
      %max3A_15 = arith.maximumf %dot_general3A_13, %max3A_14 : vector<512x512xf32>
      %mul3A = arith.mulf %max3A_15, %max3A_15 : vector<512x512xf32>
      %convert_element_type3A_16 = arith.truncf %mul3A : vector<512x512xf32> to vector<512x512xbf16>
      %get3A_17 = arith.constant 0 : index
      %get3A_18 = arith.constant 0 : index
      %get3A_19 = arith.constant 0 : index
      %get3A_20 = vector.load %arg5[%get3A_17, %get3A_18, %get3A_19] : memref<1x1024x512xf32, #tpu.memory_space<vmem>>, vector<1x1024x512xf32>
      %get3A_21 = vector.shape_cast %get3A_20 : vector<1x1024x512xf32> to vector<1024x512xf32>
      %convert_element_type3A_22 = arith.truncf %get3A_21 : vector<1024x512xf32> to vector<1024x512xbf16>
      %dot_general3A_23 = arith.constant dense<0.000000e+00> : vector<512x1024xf32>
      %dot_general3A_24 = tpu.matmul %convert_element_type3A_16, %convert_element_type3A_22, %dot_general3A_23 {dimension_numbers = #tpu.dot_dimension_numbers<[1], [1], [0], [0], [0, 0, 1, 0], [], []>, transpose_lhs_hint = false} : vector<512x512xbf16>, vector<1024x512xbf16>, vector<512x1024xf32> -> vector<512x1024xf32>
      %swap3A = arith.constant 0 : index
      %swap3A_25 = arith.constant 0 : index
      %swap3A_26 = vector.load %arg6[%swap3A, %swap3A_25] : memref<512x1024xf32, #tpu.memory_space<vmem>>, vector<512x1024xf32>
      tpu.vector_store %arg6[%swap3A, %swap3A_25], %dot_general3A_24 {strides = array<i32>} : memref<512x1024xf32, #tpu.memory_space<vmem>>, vector<512x1024xf32>,
    } else {
    }
    return
  }
  func.func @transform_0(%arg0: i32, %arg1: memref<24xi32, #tpu.memory_space<smem>>, %arg2: memref<24xi32, #tpu.memory_space<smem>>) -> (i32, i32) {
    %c0_i32 = arith.constant 0 : i32
    %c0_i32_0 = arith.constant 0 : i32
    return %arg0, %c0_i32 : i32, i32
  }
  func.func @transform_1(%arg0: i32, %arg1: memref<24xi32, #tpu.memory_space<smem>>, %arg2: memref<24xi32, #tpu.memory_space<smem>>) -> (i32, i32, i32) {
    %get3A = arith.index_cast %arg0 : i32 to index
    %get3A_0 = memref.load %arg1[%get3A] : memref<24xi32, #tpu.memory_space<smem>>
    %c0_i32 = arith.constant 0 : i32
    %c0_i32_1 = arith.constant 0 : i32
    %c0_i32_2 = arith.constant 0 : i32
    return %get3A_0, %c0_i32, %c0_i32_1 : i32, i32, i32
  }
  func.func @transform_2(%arg0: i32, %arg1: memref<24xi32, #tpu.memory_space<smem>>, %arg2: memref<24xi32, #tpu.memory_space<smem>>) -> (i32, i32, i32) {
    %get3A = arith.index_cast %arg0 : i32 to index
    %get3A_0 = memref.load %arg1[%get3A] : memref<24xi32, #tpu.memory_space<smem>>
    %c0_i32 = arith.constant 0 : i32
    %c0_i32_1 = arith.constant 0 : i32
    %c0_i32_2 = arith.constant 0 : i32
    return %get3A_0, %c0_i32, %c0_i32_1 : i32, i32, i32
  }
  func.func @transform_3(%arg0: i32, %arg1: memref<24xi32, #tpu.memory_space<smem>>, %arg2: memref<24xi32, #tpu.memory_space<smem>>) -> (i32, i32) {
    %c0_i32 = arith.constant 0 : i32
    %c0_i32_0 = arith.constant 0 : i32
    return %arg0, %c0_i32 : i32, i32
  }
}

module attributes {stable_mosaic.version = 14 : i64} {
  func.func @_shared_mlp_kernel(%arg0: i32, %arg1: memref<512x1024xf32, #tpu.memory_space<vmem>>, %arg2: memref<1024x1024xf32, #tpu.memory_space<vmem>>, %arg3: memref<1024x1024xf32, #tpu.memory_space<vmem>>, %arg4: memref<512x1024xf32, #tpu.memory_space<vmem>>) attributes {dimension_semantics = [#tpu.dimension_semantics<arbitrary>], iteration_bounds = array<i64: 4>, scalar_prefetch = 0 : i64, scratch_operands = 0 : i64, tpu.core_type = #tpu.core_type<tc>, window_params = [{transform_indices = @transform_0, window_bounds = array<i64: 512, 1024>}, {pipeline_mode = #tpu.pipeline_mode<synchronous>, transform_indices = @transform_1, window_bounds = array<i64: 1024, 1024>}, {pipeline_mode = #tpu.pipeline_mode<synchronous>, transform_indices = @transform_2, window_bounds = array<i64: 1024, 1024>}, {transform_indices = @transform_3, window_bounds = array<i64: 512, 1024>}]} {
    %get3A = arith.constant 0 : index
    %get3A_0 = arith.constant 0 : index
    %get3A_1 = vector.load %arg1[%get3A, %get3A_0] : memref<512x1024xf32, #tpu.memory_space<vmem>>, vector<512x1024xf32>
    %convert_element_type3A = arith.truncf %get3A_1 : vector<512x1024xf32> to vector<512x1024xbf16>
    %get3A_2 = arith.constant 0 : index
    %get3A_3 = arith.constant 0 : index
    %get3A_4 = vector.load %arg2[%get3A_2, %get3A_3] : memref<1024x1024xf32, #tpu.memory_space<vmem>>, vector<1024x1024xf32>
    %convert_element_type3A_5 = arith.truncf %get3A_4 : vector<1024x1024xf32> to vector<1024x1024xbf16>
    %dot_general3A = arith.constant dense<0.000000e+00> : vector<512x1024xf32>
    %dot_general3A_6 = tpu.matmul %convert_element_type3A, %convert_element_type3A_5, %dot_general3A {dimension_numbers = #tpu.dot_dimension_numbers<[1], [1], [0], [0], [0, 0, 1, 0], [], []>, transpose_lhs_hint = false} : vector<512x1024xbf16>, vector<1024x1024xbf16>, vector<512x1024xf32> -> vector<512x1024xf32>
    %max3A = arith.constant 0.000000e+00 : f32
    %max3A_7 = vector.broadcast %max3A : f32 to vector<512x1024xf32>
    %max3A_8 = arith.maximumf %dot_general3A_6, %max3A_7 : vector<512x1024xf32>
    %mul3A = arith.mulf %max3A_8, %max3A_8 : vector<512x1024xf32>
    %convert_element_type3A_9 = arith.truncf %mul3A : vector<512x1024xf32> to vector<512x1024xbf16>
    %get3A_10 = arith.constant 0 : index
    %get3A_11 = arith.constant 0 : index
    %get3A_12 = vector.load %arg3[%get3A_10, %get3A_11] : memref<1024x1024xf32, #tpu.memory_space<vmem>>, vector<1024x1024xf32>
    %convert_element_type3A_13 = arith.truncf %get3A_12 : vector<1024x1024xf32> to vector<1024x1024xbf16>
    %dot_general3A_14 = arith.constant dense<0.000000e+00> : vector<512x1024xf32>
    %dot_general3A_15 = tpu.matmul %convert_element_type3A_9, %convert_element_type3A_13, %dot_general3A_14 {dimension_numbers = #tpu.dot_dimension_numbers<[1], [1], [0], [0], [0, 0, 1, 0], [], []>, transpose_lhs_hint = false} : vector<512x1024xbf16>, vector<1024x1024xbf16>, vector<512x1024xf32> -> vector<512x1024xf32>
    %swap3A = arith.constant 0 : index
    %swap3A_16 = arith.constant 0 : index
    %swap3A_17 = vector.load %arg4[%swap3A, %swap3A_16] : memref<512x1024xf32, #tpu.memory_space<vmem>>, vector<512x1024xf32>
    tpu.vector_store %arg4[%swap3A, %swap3A_16], %dot_general3A_15 {strides = array<i32>} : memref<512x1024xf32, #tpu.memory_space<vmem>>, vector<512x1024xf32>,
    return
  }
  func.func @transform_0(%arg0: i32) -> (i32, i32) {
    %c0_i32 = arith.constant 0 : i32
    %c0_i32_0 = arith.constant 0 : i32
    return %arg0, %c0_i32 : i32, i32
  }
  func.func @transform_1(%arg0: i32) -> (i32, i32) {
    %c0_i32 = arith.constant 0 : i32
    %c0_i32_0 = arith.constant 0 : i32
    %c0_i32_1 = arith.constant 0 : i32
    return %c0_i32, %c0_i32_0 : i32, i32
  }
  func.func @transform_2(%arg0: i32) -> (i32, i32) {
    %c0_i32 = arith.constant 0 : i32
    %c0_i32_0 = arith.constant 0 : i32
    %c0_i32_1 = arith.constant 0 : i32
    return %c0_i32, %c0_i32_0 : i32, i32
  }
  func.func @transform_3(%arg0: i32) -> (i32, i32) {
    %c0_i32 = arith.constant 0 : i32
    %c0_i32_0 = arith.constant 0 : i32
    return %arg0, %c0_i32 : i32, i32
  }
}

module attributes {stable_mosaic.version = 14 : i64} {
  func.func @_combine_kernel(%arg0: i32, %arg1: memref<512x1024xf32, #tpu.memory_space<vmem>>, %arg2: memref<512x2x1024xf32, #tpu.memory_space<vmem>>, %arg3: memref<512x2xf32, #tpu.memory_space<vmem>>, %arg4: memref<512x1024xf32, #tpu.memory_space<vmem>>) attributes {dimension_semantics = [#tpu.dimension_semantics<arbitrary>], iteration_bounds = array<i64: 4>, scalar_prefetch = 0 : i64, scratch_operands = 0 : i64, tpu.core_type = #tpu.core_type<tc>, window_params = [{transform_indices = @transform_0, window_bounds = array<i64: 512, 1024>}, {transform_indices = @transform_1, window_bounds = array<i64: 512, 2, 1024>}, {transform_indices = @transform_2, window_bounds = array<i64: 512, 2>}, {transform_indices = @transform_3, window_bounds = array<i64: 512, 1024>}]} {
    %get3A = arith.constant 0 : index
    %get3A_0 = arith.constant 0 : index
    %get3A_1 = arith.constant 0 : index
    %get3A_2 = vector.load %arg2[%get3A, %get3A_0, %get3A_1] : memref<512x2x1024xf32, #tpu.memory_space<vmem>>, vector<512x1x1024xf32>
    %get3A_3 = vector.shape_cast %get3A_2 : vector<512x1x1024xf32> to vector<512x1024xf32>
    %get3A_4 = arith.constant 0 : index
    %get3A_5 = arith.constant 1 : index
    %get3A_6 = arith.constant 0 : index
    %get3A_7 = vector.load %arg2[%get3A_4, %get3A_5, %get3A_6] : memref<512x2x1024xf32, #tpu.memory_space<vmem>>, vector<512x1x1024xf32>
    %get3A_8 = vector.shape_cast %get3A_7 : vector<512x1x1024xf32> to vector<512x1024xf32>
    %get3A_9 = arith.constant 0 : index
    %get3A_10 = arith.constant 0 : index
    %get3A_11 = vector.load %arg3[%get3A_9, %get3A_10] : memref<512x2xf32, #tpu.memory_space<vmem>>, vector<512x1xf32>
    %get3A_12 = arith.constant 0 : index
    %get3A_13 = arith.constant 1 : index
    %get3A_14 = vector.load %arg3[%get3A_12, %get3A_13] : memref<512x2xf32, #tpu.memory_space<vmem>>, vector<512x1xf32>
    %get3A_15 = arith.constant 0 : index
    %get3A_16 = arith.constant 0 : index
    %get3A_17 = vector.load %arg1[%get3A_15, %get3A_16] : memref<512x1024xf32, #tpu.memory_space<vmem>>, vector<512x1024xf32>
    %mul3A = vector.broadcast %get3A_11 : vector<512x1xf32> to vector<512x1024xf32>
    %mul3A_18 = arith.mulf %mul3A, %get3A_3 : vector<512x1024xf32>
    %add3A = arith.addf %get3A_17, %mul3A_18 : vector<512x1024xf32>
    %mul3A_19 = vector.broadcast %get3A_14 : vector<512x1xf32> to vector<512x1024xf32>
    %mul3A_20 = arith.mulf %mul3A_19, %get3A_8 : vector<512x1024xf32>
    %add3A_21 = arith.addf %add3A, %mul3A_20 : vector<512x1024xf32>
    %swap3A = arith.constant 0 : index
    %swap3A_22 = arith.constant 0 : index
    %swap3A_23 = vector.load %arg4[%swap3A, %swap3A_22] : memref<512x1024xf32, #tpu.memory_space<vmem>>, vector<512x1024xf32>
    tpu.vector_store %arg4[%swap3A, %swap3A_22], %add3A_21 {strides = array<i32>} : memref<512x1024xf32, #tpu.memory_space<vmem>>, vector<512x1024xf32>,
    return
  }
  func.func @transform_0(%arg0: i32) -> (i32, i32) {
    %c0_i32 = arith.constant 0 : i32
    %c0_i32_0 = arith.constant 0 : i32
    return %arg0, %c0_i32 : i32, i32
  }
  func.func @transform_1(%arg0: i32) -> (i32, i32, i32) {
    %c0_i32 = arith.constant 0 : i32
    %c0_i32_0 = arith.constant 0 : i32
    %c0_i32_1 = arith.constant 0 : i32
    return %arg0, %c0_i32, %c0_i32_0 : i32, i32, i32
  }
  func.func @transform_2(%arg0: i32) -> (i32, i32) {
    %c0_i32 = arith.constant 0 : i32
    %c0_i32_0 = arith.constant 0 : i32
    return %arg0, %c0_i32 : i32, i32
  }
  func.func @transform_3(%arg0: i32) -> (i32, i32) {
    %c0_i32 = arith.constant 0 : i32
    %c0_i32_0 = arith.constant 0 : i32
    return %arg0, %c0_i32 : i32, i32
  }
}

</mosaic_0001>

<sc_bundles>
// kernel: kernel.11.cloned.1.call-start
scs
__scs_entry_jumppad:
0x0: {  	(pc) =	sbr.rel $0x88, $3  }
0x1: {  	(tag) =	ssettag $0x0;
	lr =	simm.s32 $0x1  }
0x2: {  	[smem:$0x3F9A] =	sst lr;
	_ =	strace $0xD0000000  }
0x3: {  	_ = 	snop  }
0x4: {  	_ = 	snop  }
0x5: {  	_ = 	snop  }
0x6: {  	_ = 	snop  }
0x7: {  	_ = 	snop  }
__scs_overlays_trampoline_lowered:
0x8: {  	[smem:$0x3FA9] =	sst s0  }
0x9: {  	[smem:$0x3FAA] =	sst s1  }
0xa: {  	[smem:$0x3FAB] =	sst s2  }
0xb: {  	[smem:$0x3FAC] =	sst s3  }
0xc: {  	[smem:$0x3FAD] =	sst s4  }
0xd: {  	[smem:$0x3FAE] =	sst s5  }
0xe: {  	[smem:$0x3FAF] =	sst s6  }
0xf: {  	[smem:$0x3FB0] =	sst s7  }
0x10: {  	[smem:$0x3FB1] =	sst s8  }
0x11: {  	[smem:$0x3FB2] =	sst s9;
	s0 =	simm.s32 @!p0 $0x0  }
0x12: {  	s1 =	sld [smem:$0x3F98];
	s0 =	simm.s32 @p0 $0x1  }
0x13: {  	[smem:$0x3FB3] =	sst s0;
	s0 =	simm.s32 @!p1 $0x0  }
0x14: {  	s2 =	sld [smem:$0x3F97];
	s0 =	simm.s32 @p1 $0x1  }
0x15: {  	[smem:$0x3FB4] =	sst s0;
	s0 =	simm.s32 @!p2 $0x0  }
0x16: {  	s3 =	sld [smem:$0x3FDB];
	s0 =	simm.s32 @p2 $0x1  }
0x17: {  	s4 =	simm.s32 $0x1BF5;
	[smem:$0x3FB6] =	sst s0  }
0x18: {  	s0 =	sld [smem:$0x3F99];
	_ =	swait.ge [sflag:s4], $0x0  }
0x19: {  	s7 =	sld [smem:$0x3F9A]  }
0x1a: {  	s8 =	sadd.s32 $0xFFFFE003, lr  }
0x1b: {  	s9 =	sadd.s32 $0xFFFFFEF7, lr;
	s5 =	simm.s32 $0xFFFFFFFF;
	p2 =	slt.u32 s8, $0xFFFFF086  }
0x1c: {  	p1 =	slt.u32 s9, $0xF7A;
	s5 =	simm.s32 @!p2 $0x0  }
0x1d: {  	s5 =	simm.s32 @p1 $0x1;
	p0 =	seq.s32 s7, s2  }
0x1e: {  	s7 =	smul.u32 @!p0 $0xF7A, s2;
	p2 =	seq.s32 @!p0 s5, $0x0  }
0x1f: {  	s9 =	smul.u32 $0xF7A, s1;
	s8 =	simm.s32 @!p0 $0x1BF5;
	p2 =	por !p2, p0  }
0x20: {  	[sflag:s8] =	ssyncset.s32 @!p0 $0xFFFFF086;
	s6 =	sadd.s32 @!p0 s3, s7;
	s7 =	simm.s32 @!p0 $0x108  }
0x21: {  	s3 =	sadd.s32 s3, s9;
	s6 =	sadd.s32 @!p0 $0x88, s6;
	s7 =	simm.s32 @p2 $0x1082  }
0x22: {  	[simem:s7], [sflag:s8] =	dma.local @!p0 [hbm:s6], $0xF7A  }
0x23: {  	s9 =	sor.u32 $0xD0000000, s2;
	s6 =	simm.s32 $0x108;
	_ =	swait.ge @!p0 [sflag:s8], $0x0  }
0x24: {  	s3 =	sadd.s32 $0x88, s3;
	s6 =	simm.s32 @!p1 $0x1082;
	[sflag:s4] =	ssyncset.s32 $0xFFFFF086  }
0x25: {  	[simem:s6], [sflag:s4] =	dma.local [hbm:s3], $0xF7A  }
0x26: {  	[smem:$0x3F9A] =	sst s1;
	(tag) =	ssettag s2;
	_ =	strace s9  }
0x27: {  	s1 =	sld [smem:$0x3FAA]  }
0x28: {  	s2 =	sld [smem:$0x3FAB]  }
0x29: {  	s4 =	sld [smem:$0x3FAD]  }
0x2a: {  	p0 =	seq.s32 s5, $0x0;
	s5 =	sld [smem:$0x3FAE]  }
0x2b: {  	s6 =	sld [smem:$0x3FAF]  }
0x2c: {  	s7 =	sld [smem:$0x3FB0]  }
0x2d: {  	s3 =	simm.s32 $0x108;
	s8 =	sld [smem:$0x3FB1]  }
0x2e: {  	s3 =	simm.s32 @!p0 $0x1082;
	s9 =	sld [smem:$0x3FB2]  }
0x2f: {  	lr =	sadd.s32 s0, s3;
	s0 =	sld [smem:$0x3FA9]  }
0x30: {  	s3 =	sld [smem:$0x3FAC]  }
0x31: {  	[smem:$0x3FB5] =	sst s10  }
0x32: {  	s10 =	sld [smem:$0x3FB3];
	_ =	sdelay $0x3  }
0x33: {  	p0 =	seq.s32 s10, $0x1;
	s10 =	sld [smem:$0x3FB5];
	_ =	sdelay $0x3  }
0x34: {  	[smem:$0x3FB5] =	sst s10  }
0x35: {  	s10 =	sld [smem:$0x3FB4];
	_ =	sdelay $0x3  }
0x36: {  	p1 =	seq.s32 s10, $0x1;
	s10 =	sld [smem:$0x3FB5];
	_ =	sdelay $0x3  }
0x37: {  	[smem:$0x3FB5] =	sst s10  }
0x38: {  	s10 =	sld [smem:$0x3FB6]  }
0x39: {  	_ = 	snop;
	(pc) =	sbr.ind lr, $3  }
0x3a: {  	_ = 	snop  }
0x3b: {  	_ = 	snop  }
0x3c: {  	p2 =	seq.s32 s10, $0x1;
	s10 =	sld [smem:$0x3FB5]  }
0x3d: {  	_ =	shalt  }
0x3e: {  	_ =	shalt  }
0x3f: {  	_ =	shalt  }
0x40: {  	_ =	shalt  }
0x41: {  	_ =	shalt  }
0x42: {  	_ =	shalt  }
0x43: {  	_ =	shalt  }
0x44: {  	_ =	shalt  }
0x45: {  	_ =	shalt  }
0x46: {  	_ =	shalt  }
0x47: {  	_ =	shalt  }
0x48: {  	_ =	shalt  }
0x49: {  	_ =	shalt  }
0x4a: {  	_ =	shalt  }
0x4b: {  	_ =	shalt  }
0x4c: {  	_ =	shalt  }
0x4d: {  	_ =	shalt  }
0x4e: {  	_ =	shalt  }
0x4f: {  	_ =	shalt  }
0x50: {  	_ =	shalt  }
0x51: {  	_ =	shalt  }
0x52: {  	_ =	shalt  }
0x53: {  	_ =	shalt  }
0x54: {  	_ =	shalt  }
0x55: {  	_ =	shalt  }
0x56: {  	_ =	shalt  }
0x57: {  	_ =	shalt  }
0x58: {  	_ =	shalt  }
0x59: {  	_ =	shalt  }
0x5a: {  	_ =	shalt  }
0x5b: {  	_ =	shalt  }
0x5c: {  	_ =	shalt  }
0x5d: {  	_ =	shalt  }
0x5e: {  	_ =	shalt  }
0x5f: {  	_ =	shalt  }
0x60: {  	_ =	shalt  }
0x61: {  	_ =	shalt  }
0x62: {  	_ =	shalt  }
0x63: {  	_ =	shalt  }
0x64: {  	_ =	shalt  }
0x65: {  	_ =	shalt  }
0x66: {  	_ =	shalt  }
0x67: {  	_ =	shalt  }
0x68: {  	_ =	shalt  }
0x69: {  	_ =	shalt  }
0x6a: {  	_ =	shalt  }
0x6b: {  	_ =	shalt  }
0x6c: {  	_ =	shalt  }
0x6d: {  	_ =	shalt  }
0x6e: {  	_ =	shalt  }
0x6f: {  	_ =	shalt  }
0x70: {  	_ =	shalt  }
0x71: {  	_ =	shalt  }
0x72: {  	_ =	shalt  }
0x73: {  	_ =	shalt  }
0x74: {  	_ =	shalt  }
0x75: {  	_ =	shalt  }
0x76: {  	_ =	shalt  }
0x77: {  	_ =	shalt  }
0x78: {  	_ =	shalt  }
0x79: {  	_ =	shalt  }
0x7a: {  	_ =	shalt  }
0x7b: {  	_ =	shalt  }
0x7c: {  	_ =	shalt  }
0x7d: {  	_ =	shalt  }
0x7e: {  	_ =	shalt  }
0x7f: {  	_ =	shalt  }
0x80: {  	_ =	shalt  }
0x81: {  	_ =	shalt  }
0x82: {  	_ =	shalt  }
0x83: {  	_ =	shalt  }
0x84: {  	_ =	shalt  }
0x85: {  	_ =	shalt  }
0x86: {  	_ =	shalt  }
0x87: {  	_ =	shalt  }
.Lfunc_end0:
.L_simem_size_0:
called_computation.2_lowered:
.L_overlay_start_0:
0x88: {  	s2 =	sld [smem:$0x3FD9]  }
0x89: {  	s3 =	sld [smem:$0x3FFE];
	_ =	sdelay $0x1  }
0x8a: {  	s1 =	srdreg.scid  }
0x8b: {  	s0 =	sand.u32 $0x1, s1  }
0x8c: {  	s16 =	sshll.u32 s0, $0xA;
	s2 =	sadd.s32 s3, s2  }
0x8d: {  	s2 =	sadd.s32 s2, s16  }
0x8e: {  	[smem:$0x3FC1] =	sst s2  }
0x8f: {  	_ = 	snop  }
0x90: {  	(tm) =	ssettm $0x1  }
0x91: {  	s17 =	sld [smem:$0x3FFB];
	_ =	sdelay $0x3  }
0x92: {  	_ =	strace s17  }
0x93: {  	s2 =	sld [smem:$0x3FFC];
	_ =	sdelay $0x3  }
0x94: {  	_ =	strace s2  }
0x95: {  	s2 =	sld [smem:$0x3FFD];
	_ =	sdelay $0x3  }
0x96: {  	_ =	strace s2  }
0x97: {  	_ =	strace $0x8FFFFFFF  }
0x98: {  	s18 =	sld [smem:$0x3FDB];
	_ =	sdelay $0x1  }
0x99: {  	s19 =	simm.s32 $_scs_section_size  }
0x9a: {  	s4 =	simm.s32 $_size__tile_overlayer_lowered;
	s5 =	simm.s32 $_tile_overlayer_lowered  }
0x9b: {  	s22 =	simm.s32 $0x1BFF;
	s21 =	sshll.u32 s5, $0x1;
	s2 =	sadd.s32 s19, s18  }
0x9c: {  	s6 =	simm.s32 $0x0;
	s20 =	sshll.u32 s4, $0x1;
	s4 =	sadd.s32 s21, s2  }
0x9d: {  	[timem:s6], [sflag:s22] =	dma.local [hbm:s4], s20  }
0x9e: {  	_ =	swait.ge [sflag:s22], s20  }
0x9f: {  	s3 =	ssub.s32 $0x0, s20;
	[sflag:s22] =	ssyncset.done $0x0  }
0xa0: {  	[sflag:s22] =	ssyncadd.s32 s3;
	_ =	sdelay $0x1  }
0xa1: {  	s23 =	simm.s32 $0x1B8B  }
0xa2: {  	_ =	swait.ge [sflag:s23], $0x1  }
0xa3: {  	[sflag:s23] =	ssyncset.done $0x0  }
0xa4: {  	s25 =	simm.s32 $0x1B8E;
	s24 =	sld [smem:$0x3FFE];
	[sflag:s23] =	ssyncadd.s32 $0xFFFFFFFF  }
0xa5: {  	s26 =	simm.s32 $execute0_lowered;
	[smem:$0x3FD2] =	sst s25  }
0xa6: {  	s4 =	sshll.u32 s26, $0x1;
	_ =	strace $0x8000004C;
	[dreg:$0x1] =	wrdreg $0xFFFFFFFF  }
0xa7: {  	s28 =	simm.s32 $_size_execute0_lowered;
	s2 =	sadd.s32 s2, s4;
	[dreg:$0x0] =	wrdreg $0x0  }
0xa8: {  	s4 =	sshll.u32 s28, $0x1;
	[dreg:$0x2] =	wrdreg s2  }
0xa9: {  	[dreg:$0x3] =	wrdreg s4  }
0xaa: {  	[dreg:$0x4] =	wrdreg $0xC0  }
0xab: {  	_ =	task [dreg:s6], $0x5FFFF  }
0xac: {  	[dreg:$0x1] =	wrdreg $0xFFFFFFFF  }
0xad: {  	[dreg:$0x0] =	wrdreg $0x60  }
0xae: {  	[dreg:$0x2] =	wrdreg s24  }
0xaf: {  	[dreg:$0x3] =	wrdreg $0x9  }
0xb0: {  	_ =	task.clear_ibuf [dreg:s6], $0x4FFFF;
	_ =	strace $0x9000004C  }
0xb1: {  	s29 =	simm.s32 $0x9;
	_ =	strace $0x8000004E  }
0xb2: {  	_ =	swait.ge [sflag:s29], $0x1  }
0xb3: {  	[sflag:s29] =	ssyncadd.s32 $0xFFFFFFFF  }
0xb4: {  	_ =	strace $0x9000004E  }
0xb5: {  	_ =	sfence  }
0xb6: {  	s30 =	sld [smem:$0x0];
	_ =	sdelay $0x2  }
0xb7: {  	s31 =	sshll.u32 s1, $0xD;
	s1 =	sshrl.u32 s1, $0x2  }
0xb8: {  	s3 =	sand.u32 $0x4000, s31;
	s1 =	sadd.s32 s1, s30  }
0xb9: {  	s0 =	sor.u32 s3, s0;
	s1 =	sshll.u32 s1, $0x11  }
0xba: {  	s0 =	sor.u32 s1, s0  }
0xbb: {  	s0 =	sadd.s32 $0x8F2B, s0  }
0xbc: {  	[sflag:s0] =	ssyncadd.remote.s32 $0x1  }
0xbd: {  	_ =	sfence.sel $0xFFFF  }
0xbe: {  	[dreg:$0x0] =	wrdreg $0xFFFFFFFF;
	(pc) =	sbr.abs _section_cstart, $3  }
0xbf: {  	[dreg:$0x1] =	wrdreg $0xFFFFFFFF  }
0xc0: {  	_ =	task.clear_ibuf [dreg:s6], $0x2FFFF;
	_ =	strace $0x9FFFFFFF  }
0xc1: {  	(tm) =	ssettm $0x7FFFFFFF  }
tec
execute0_lowered:
.L_overlay_start_1:
0x0: {  	(tag) =	ssettag $0x1  }
0x1: {  	s0 =	rddreg [dreg:$0x0];
	s1 =	srdreg.scid  }
0x2: {  	s2 =	simm.s32 $0x0;
	s3 =	stileid.u32;
	s18 =	simm.s32 $0x1  }
0x3: {  	s20 =	simm.s32 $0x880;
	s21 =	simm.s32 $0x1080;
	s22 =	simm.s32 $0x1880  }
0x4: {  	s23 =	simm.s32 $0x2080;
	s28 =	simm.s32 $0x4080;
	s29 =	simm.s32 $0x4880  }
0x5: {  	s30 =	simm.s32 $0x5080;
	s31 =	simm.s32 $0x5880;
	s11 =	simm.s32 $0x7880  }
0x6: {  	s12 =	simm.s32 $0x8080;
	s13 =	simm.s32 $0x8880;
	s14 =	simm.s32 $0x9080  }
0x7: {  	s15 =	simm.s32 $0x9880;
	s16 =	simm.s32 $0xA080;
	s17 =	simm.s32 $0xA880  }
0x8: {  	s1 =	sand.u32 $0x1, s1;
	[smem:$0x7FF] =	sst s2;
	s3 =	sshll.u32 s3, $0x8  }
0x9: {  	s6 =	sadd.s32 $0x600, s0;
	s8 =	sadd.s32 $0x800, s0;
	s4 =	sshll.u32 s1, $0x7  }
0xa: {  	_ =	strace $0x8000004D;
	s1 =	ssub.s32 $0x2, s1;
	s5 =	sor.u32 s4, s3  }
0xb: {  	s3 =	sadd.s32 $0x182400, s0;
	s7 =	sshrl.u32 s1, $0x1;
	s4 =	sshrl.u32 s5, $0x3  }
0xc: {  	s1 =	ssub.s32 s1, s7;
	s24 =	sshll.u32 s5, $0x7;
	s9 =	sor.u32 $0x40, s5  }
0xd: {  	s5 =	sadd.s32 $0x182600, s0;
	s4 =	sadd.s32 s6, s4;
	s7 =	sadd.s32 s8, s24  }
0xe: {  	s10 =	sshrl.u32 s9, $0x3;
	s9 =	sshll.u32 s9, $0x7;
	[dreg:$0x2] =	wrdreg s4  }
0xf: {  	s24 =	simm.s32 $0x2880;
	s4 =	sadd.s32 $0x182500, s0;
	[dreg:$0x3] =	wrdreg s7  }
0x10: {  	s25 =	sadd.s32 s6, s10;
	s6 =	sadd.s32 $0x182700, s0;
	s26 =	sadd.s32 s8, s9  }
0x11: {  	v2 =	vlaneseq.u32;
	s7 =	smax.u32 s1, $0x1;
	s8 =	simm.s32 $0x2;
	s0 =	simm.s32 $0x80  }
0x12: {  	vm0 =	vmmov $0xffff;
	v1 =	vshrl.u32 v2, $0x3;
	s10 =	simm.s32 $0x7080;
	s9 =	simm.s32 $0xB080;
	[dreg:$0x4] =	wrdreg s25  }
0x13: {  	v0 =	vand.u32 $0x7, v2;
	v2 =	vor.u32 $0x8, v2;
	v1 =	vmul.u32 $0x8, v1;
	[dreg:$0x5] =	wrdreg s26;
	s25 =	simm.s32 $0x3080;
	s26 =	simm.s32 $0x3880  }
.LBB2_1:
0x14: {  	s19 =	rddreg [dreg:$0x2]  }
0x15: {  	[tilespmem:s2], [sflag:$0x2] =	stream.linear.gather [hbm4b:s19+s2], $0x40, $0x38;
	[tilespmem:$0x10080] =	vst v63  }
0x16: {  	_ =	swait.ge [sflag:s8], $0x40  }
0x17: {  	[sflag:s8] =	ssyncset.done $0x0  }
0x18: {  	[sflag:s8] =	ssyncadd.s32 $0xFFFFFFC0  }
0x19: {  	v3 =	vld [tilespmem:$0x0];
	_ =	sdelay $0x4  }
0x1a: {  	v4 =	vshll.u32 v3, $0x3  }
0x1b: {  	v3 =	vand.u32 $0x7, v3;
	v4 =	vand.u32 $0xFFFFFFC0, v4  }
0x1c: {  	v3 =	vor.u32 v3, v4  }
0x1d: {  	v4 =	vperm.xlane v3, v0;
	_ =	sdelay $0x1  }
0x1e: {  	v4 =	vadd.s32 v1, v4;
	_ =	sdelay $0x4  }
0x1f: {  	[tilespmem:s0], [sflag:$0x1] =	stream.indirect_vreg.gather [hbm4b:s3+s2], $0x80, v4, vm0, $0xb8;
	[tilespmem:$0x10080] =	vst v63  }
0x20: {  	v3 =	vperm.xlane v3, v2  }
0x21: {  	[tilespmem:s20], [sflag:$0x1] =	stream.indirect_vreg.gather [hbm4b:s4+s2], $0x80, v4, vm0, $0xb8;
	[tilespmem:$0x10080] =	vst v63  }
0x22: {  	v3 =	vadd.s32 v1, v3  }
0x23: {  	[tilespmem:s21], [sflag:$0x1] =	stream.indirect_vreg.gather [hbm4b:s5+s2], $0x80, v4, vm0, $0xb8;
	[tilespmem:$0x10080] =	vst v63  }
0x24: {  	_ = 	snop  }
0x25: {  	[tilespmem:s22], [sflag:$0x1] =	stream.indirect_vreg.gather [hbm4b:s6+s2], $0x80, v4, vm0, $0xb8;
	[tilespmem:$0x10080] =	vst v63  }
0x26: {  	_ = 	snop  }
0x27: {  	[tilespmem:s23], [sflag:$0x1] =	stream.indirect_vreg.gather [hbm4b:s3+s2], $0x80, v3, vm0, $0xb8;
	[tilespmem:$0x10080] =	vst v63  }
0x28: {  	_ = 	snop  }
0x29: {  	[tilespmem:s24], [sflag:$0x1] =	stream.indirect_vreg.gather [hbm4b:s4+s2], $0x80, v3, vm0, $0xb8;
	[tilespmem:$0x10080] =	vst v63  }
0x2a: {  	_ = 	snop  }
0x2b: {  	[tilespmem:s25], [sflag:$0x1] =	stream.indirect_vreg.gather [hbm4b:s5+s2], $0x80, v3, vm0, $0xb8;
	[tilespmem:$0x10080] =	vst v63  }
0x2c: {  	_ = 	snop  }
0x2d: {  	[tilespmem:s26], [sflag:$0x1] =	stream.indirect_vreg.gather [hbm4b:s6+s2], $0x80, v3, vm0, $0xb8;
	[tilespmem:$0x10080] =	vst v63  }
0x2e: {  	v3 =	vld [tilespmem:$0x10];
	_ =	sdelay $0x4  }
0x2f: {  	v57 =	vshll.u32 v3, $0x3  }
0x30: {  	v3 =	vand.u32 $0x7, v3;
	v4 =	vand.u32 $0xFFFFFFC0, v57  }
0x31: {  	v3 =	vor.u32 v3, v4  }
0x32: {  	v4 =	vperm.xlane v3, v0;
	_ =	sdelay $0x1  }
0x33: {  	v4 =	vadd.s32 v1, v4;
	_ =	sdelay $0x4  }
0x34: {  	[tilespmem:s28], [sflag:$0x1] =	stream.indirect_vreg.gather [hbm4b:s3+s2], $0x80, v4, vm0, $0xb8;
	[tilespmem:$0x10080] =	vst v63  }
0x35: {  	v3 =	vperm.xlane v3, v2  }
0x36: {  	[tilespmem:s29], [sflag:$0x1] =	stream.indirect_vreg.gather [hbm4b:s4+s2], $0x80, v4, vm0, $0xb8;
	[tilespmem:$0x10080] =	vst v63  }
0x37: {  	v3 =	vadd.s32 v1, v3  }
0x38: {  	[tilespmem:s30], [sflag:$0x1] =	stream.indirect_vreg.gather [hbm4b:s5+s2], $0x80, v4, vm0, $0xb8;
	[tilespmem:$0x10080] =	vst v63  }
0x39: {  	_ = 	snop  }
0x3a: {  	[tilespmem:s31], [sflag:$0x1] =	stream.indirect_vreg.gather [hbm4b:s6+s2], $0x80, v4, vm0, $0xb8;
	[tilespmem:$0x10080] =	vst v63  }
0x3b: {  	s1 =	simm.s32 $0x6080  }
0x3c: {  	[tilespmem:s1], [sflag:$0x1] =	stream.indirect_vreg.gather [hbm4b:s3+s2], $0x80, v3, vm0, $0xb8;
	[tilespmem:$0x10080] =	vst v63  }
0x3d: {  	s1 =	simm.s32 $0x6880  }
0x3e: {  	[tilespmem:s1], [sflag:$0x1] =	stream.indirect_vreg.gather [hbm4b:s4+s2], $0x80, v3, vm0, $0xb8;
	[tilespmem:$0x10080] =	vst v63  }
0x3f: {  	_ = 	snop  }
0x40: {  	[tilespmem:s10], [sflag:$0x1] =	stream.indirect_vreg.gather [hbm4b:s5+s2], $0x80, v3, vm0, $0xb8;
	[tilespmem:$0x10080] =	vst v63  }
0x41: {  	_ = 	snop  }
0x42: {  	[tilespmem:s11], [sflag:$0x1] =	stream.indirect_vreg.gather [hbm4b:s6+s2], $0x80, v3, vm0, $0xb8;
	[tilespmem:$0x10080] =	vst v63  }
0x43: {  	v3 =	vld [tilespmem:$0x20];
	_ =	sdelay $0x4  }
0x44: {  	v58 =	vshll.u32 v3, $0x3  }
0x45: {  	v3 =	vand.u32 $0x7, v3;
	v4 =	vand.u32 $0xFFFFFFC0, v58  }
0x46: {  	v3 =	vor.u32 v3, v4  }
0x47: {  	v4 =	vperm.xlane v3, v0;
	_ =	sdelay $0x1  }
0x48: {  	v4 =	vadd.s32 v1, v4;
	_ =	sdelay $0x4  }
0x49: {  	[tilespmem:s12], [sflag:$0x1] =	stream.indirect_vreg.gather [hbm4b:s3+s2], $0x80, v4, vm0, $0xb8;
	[tilespmem:$0x10080] =	vst v63  }
0x4a: {  	v3 =	vperm.xlane v3, v2  }
0x4b: {  	[tilespmem:s13], [sflag:$0x1] =	stream.indirect_vreg.gather [hbm4b:s4+s2], $0x80, v4, vm0, $0xb8;
	[tilespmem:$0x10080] =	vst v63  }
0x4c: {  	v3 =	vadd.s32 v1, v3  }
0x4d: {  	[tilespmem:s14], [sflag:$0x1] =	stream.indirect_vreg.gather [hbm4b:s5+s2], $0x80, v4, vm0, $0xb8;
	[tilespmem:$0x10080] =	vst v63  }
0x4e: {  	_ = 	snop  }
0x4f: {  	[tilespmem:s15], [sflag:$0x1] =	stream.indirect_vreg.gather [hbm4b:s6+s2], $0x80, v4, vm0, $0xb8;
	[tilespmem:$0x10080] =	vst v63  }
0x50: {  	_ = 	snop  }
0x51: {  	[tilespmem:s16], [sflag:$0x1] =	stream.indirect_vreg.gather [hbm4b:s3+s2], $0x80, v3, vm0, $0xb8;
	[tilespmem:$0x10080] =	vst v63  }
0x52: {  	_ = 	snop  }
0x53: {  	[tilespmem:s17], [sflag:$0x1] =	stream.indirect_vreg.gather [hbm4b:s4+s2], $0x80, v3, vm0, $0xb8;
	[tilespmem:$0x10080] =	vst v63  }
0x54: {  	_ = 	snop  }
0x55: {  	[tilespmem:s9], [sflag:$0x1] =	stream.indirect_vreg.gather [hbm4b:s5+s2], $0x80, v3, vm0, $0xb8;
	[tilespmem:$0x10080] =	vst v63  }
0x56: {  	s19 =	simm.s32 $0xB880  }
0x57: {  	[tilespmem:s19], [sflag:$0x1] =	stream.indirect_vreg.gather [hbm4b:s6+s2], $0x80, v3, vm0, $0xb8;
	[tilespmem:$0x10080] =	vst v63  }
0x58: {  	v3 =	vld [tilespmem:$0x30];
	_ =	sdelay $0x4  }
0x59: {  	v59 =	vshll.u32 v3, $0x3  }
0x5a: {  	v3 =	vand.u32 $0x7, v3;
	v4 =	vand.u32 $0xFFFFFFC0, v59  }
0x5b: {  	v3 =	vor.u32 v3, v4  }
0x5c: {  	v4 =	vperm.xlane v3, v0;
	_ =	sdelay $0x1  }
0x5d: {  	v4 =	vadd.s32 v1, v4;
	_ =	sdelay $0x3  }
0x5e: {  	s19 =	simm.s32 $0xC080  }
0x5f: {  	[tilespmem:s19], [sflag:$0x1] =	stream.indirect_vreg.gather [hbm4b:s3+s2], $0x80, v4, vm0, $0xb8;
	[tilespmem:$0x10080] =	vst v63  }
0x60: {  	v3 =	vperm.xlane v3, v2;
	s19 =	simm.s32 $0xC880  }
0x61: {  	[tilespmem:s19], [sflag:$0x1] =	stream.indirect_vreg.gather [hbm4b:s4+s2], $0x80, v4, vm0, $0xb8;
	[tilespmem:$0x10080] =	vst v63  }
0x62: {  	v3 =	vadd.s32 v1, v3;
	s19 =	simm.s32 $0xD080  }
0x63: {  	[tilespmem:s19], [sflag:$0x1] =	stream.indirect_vreg.gather [hbm4b:s5+s2], $0x80, v4, vm0, $0xb8;
	[tilespmem:$0x10080] =	vst v63  }
0x64: {  	s19 =	simm.s32 $0xD880  }
0x65: {  	[tilespmem:s19], [sflag:$0x1] =	stream.indirect_vreg.gather [hbm4b:s6+s2], $0x80, v4, vm0, $0xb8;
	[tilespmem:$0x10080] =	vst v63  }
0x66: {  	s19 =	simm.s32 $0xE080  }
0x67: {  	[tilespmem:s19], [sflag:$0x1] =	stream.indirect_vreg.gather [hbm4b:s3+s2], $0x80, v3, vm0, $0xb8;
	[tilespmem:$0x10080] =	vst v63  }
0x68: {  	s19 =	simm.s32 $0xE880  }
0x69: {  	[tilespmem:s19], [sflag:$0x1] =	stream.indirect_vreg.gather [hbm4b:s4+s2], $0x80, v3, vm0, $0xb8;
	[tilespmem:$0x10080] =	vst v63  }
0x6a: {  	s19 =	simm.s32 $0xF080  }
0x6b: {  	[tilespmem:s19], [sflag:$0x1] =	stream.indirect_vreg.gather [hbm4b:s5+s2], $0x80, v3, vm0, $0xb8;
	[tilespmem:$0x10080] =	vst v63  }
0x6c: {  	s19 =	simm.s32 $0xF880  }
0x6d: {  	[tilespmem:s19], [sflag:$0x1] =	stream.indirect_vreg.gather [hbm4b:s6+s2], $0x80, v3, vm0, $0xb8;
	[tilespmem:$0x10080] =	vst v63  }
0x6e: {  	_ =	swait.ge [sflag:s18], $0x10000  }
0x6f: {  	[sflag:s18] =	ssyncset.done $0x0  }
0x70: {  	s19 =	rddreg [dreg:$0x3];
	[sflag:s18] =	ssyncadd.s32 $0xFFFF0000  }
0x71: {  	[hbm4b:s19+s2] =	stream.linear.scatter [tilespmem:s0], [sflag:$0x2], $0x10000, $0x38;
	[tilespmem:$0x10080] =	vst v63  }
0x72: {  	_ =	swait.ge [sflag:s8], $0x10000  }
0x73: {  	[sflag:s8] =	ssyncset.done $0x0  }
0x74: {  	s19 =	rddreg [dreg:$0x4];
	[sflag:s8] =	ssyncadd.s32 $0xFFFF0000  }
0x75: {  	[tilespmem:s2], [sflag:$0x2] =	stream.linear.gather [hbm4b:s19+s2], $0x40, $0x38;
	[tilespmem:$0x10080] =	vst v63  }
0x76: {  	_ =	swait.ge [sflag:s8], $0x40  }
0x77: {  	[sflag:s8] =	ssyncset.done $0x0  }
0x78: {  	[sflag:s8] =	ssyncadd.s32 $0xFFFFFFC0  }
0x79: {  	v3 =	vld [tilespmem:$0x0];
	_ =	sdelay $0x4  }
0x7a: {  	v60 =	vshll.u32 v3, $0x3  }
0x7b: {  	v3 =	vand.u32 $0x7, v3;
	v4 =	vand.u32 $0xFFFFFFC0, v60  }
0x7c: {  	v3 =	vor.u32 v3, v4  }
0x7d: {  	v4 =	vperm.xlane v3, v0;
	_ =	sdelay $0x1  }
0x7e: {  	v4 =	vadd.s32 v1, v4;
	_ =	sdelay $0x4  }
0x7f: {  	[tilespmem:s0], [sflag:$0x1] =	stream.indirect_vreg.gather [hbm4b:s3+s2], $0x80, v4, vm0, $0xb8;
	[tilespmem:$0x10080] =	vst v63  }
0x80: {  	v3 =	vperm.xlane v3, v2  }
0x81: {  	[tilespmem:s20], [sflag:$0x1] =	stream.indirect_vreg.gather [hbm4b:s4+s2], $0x80, v4, vm0, $0xb8;
	[tilespmem:$0x10080] =	vst v63  }
0x82: {  	v3 =	vadd.s32 v1, v3  }
0x83: {  	[tilespmem:s21], [sflag:$0x1] =	stream.indirect_vreg.gather [hbm4b:s5+s2], $0x80, v4, vm0, $0xb8;
	[tilespmem:$0x10080] =	vst v63  }
0x84: {  	_ = 	snop  }
0x85: {  	[tilespmem:s22], [sflag:$0x1] =	stream.indirect_vreg.gather [hbm4b:s6+s2], $0x80, v4, vm0, $0xb8;
	[tilespmem:$0x10080] =	vst v63  }
0x86: {  	_ = 	snop  }
0x87: {  	[tilespmem:s23], [sflag:$0x1] =	stream.indirect_vreg.gather [hbm4b:s3+s2], $0x80, v3, vm0, $0xb8;
	[tilespmem:$0x10080] =	vst v63  }
0x88: {  	_ = 	snop  }
0x89: {  	[tilespmem:s24], [sflag:$0x1] =	stream.indirect_vreg.gather [hbm4b:s4+s2], $0x80, v3, vm0, $0xb8;
	[tilespmem:$0x10080] =	vst v63  }
0x8a: {  	_ = 	snop  }
0x8b: {  	[tilespmem:s25], [sflag:$0x1] =	stream.indirect_vreg.gather [hbm4b:s5+s2], $0x80, v3, vm0, $0xb8;
	[tilespmem:$0x10080] =	vst v63  }
0x8c: {  	_ = 	snop  }
0x8d: {  	[tilespmem:s26], [sflag:$0x1] =	stream.indirect_vreg.gather [hbm4b:s6+s2], $0x80, v3, vm0, $0xb8;
	[tilespmem:$0x10080] =	vst v63  }
0x8e: {  	v3 =	vld [tilespmem:$0x10];
	_ =	sdelay $0x4  }
0x8f: {  	v61 =	vshll.u32 v3, $0x3  }
0x90: {  	v3 =	vand.u32 $0x7, v3;
	v4 =	vand.u32 $0xFFFFFFC0, v61  }
0x91: {  	v3 =	vor.u32 v3, v4  }
0x92: {  	v4 =	vperm.xlane v3, v0;
	_ =	sdelay $0x1  }
0x93: {  	v4 =	vadd.s32 v1, v4;
	_ =	sdelay $0x4  }
0x94: {  	[tilespmem:s28], [sflag:$0x1] =	stream.indirect_vreg.gather [hbm4b:s3+s2], $0x80, v4, vm0, $0xb8;
	[tilespmem:$0x10080] =	vst v63  }
0x95: {  	v3 =	vperm.xlane v3, v2  }
0x96: {  	[tilespmem:s29], [sflag:$0x1] =	stream.indirect_vreg.gather [hbm4b:s4+s2], $0x80, v4, vm0, $0xb8;
	[tilespmem:$0x10080] =	vst v63  }
0x97: {  	v3 =	vadd.s32 v1, v3  }
0x98: {  	[tilespmem:s30], [sflag:$0x1] =	stream.indirect_vreg.gather [hbm4b:s5+s2], $0x80, v4, vm0, $0xb8;
	[tilespmem:$0x10080] =	vst v63  }
0x99: {  	_ = 	snop  }
0x9a: {  	[tilespmem:s31], [sflag:$0x1] =	stream.indirect_vreg.gather [hbm4b:s6+s2], $0x80, v4, vm0, $0xb8;
	[tilespmem:$0x10080] =	vst v63  }
0x9b: {  	s19 =	simm.s32 $0x6080  }
0x9c: {  	[tilespmem:s19], [sflag:$0x1] =	stream.indirect_vreg.gather [hbm4b:s3+s2], $0x80, v3, vm0, $0xb8;
	[tilespmem:$0x10080] =	vst v63  }
0x9d: {  	_ = 	snop  }
0x9e: {  	[tilespmem:s1], [sflag:$0x1] =	stream.indirect_vreg.gather [hbm4b:s4+s2], $0x80, v3, vm0, $0xb8;
	[tilespmem:$0x10080] =	vst v63  }
0x9f: {  	_ = 	snop  }
0xa0: {  	[tilespmem:s10], [sflag:$0x1] =	stream.indirect_vreg.gather [hbm4b:s5+s2], $0x80, v3, vm0, $0xb8;
	[tilespmem:$0x10080] =	vst v63  }
0xa1: {  	_ = 	snop  }
0xa2: {  	[tilespmem:s11], [sflag:$0x1] =	stream.indirect_vreg.gather [hbm4b:s6+s2], $0x80, v3, vm0, $0xb8;
	[tilespmem:$0x10080] =	vst v63  }
0xa3: {  	v3 =	vld [tilespmem:$0x20];
	_ =	sdelay $0x4  }
0xa4: {  	v62 =	vshll.u32 v3, $0x3  }
0xa5: {  	v3 =	vand.u32 $0x7, v3;
	v4 =	vand.u32 $0xFFFFFFC0, v62  }
0xa6: {  	v3 =	vor.u32 v3, v4  }
0xa7: {  	v4 =	vperm.xlane v3, v0;
	_ =	sdelay $0x1  }
0xa8: {  	v4 =	vadd.s32 v1, v4;
	_ =	sdelay $0x4  }
0xa9: {  	[tilespmem:s12], [sflag:$0x1] =	stream.indirect_vreg.gather [hbm4b:s3+s2], $0x80, v4, vm0, $0xb8;
	[tilespmem:$0x10080] =	vst v63  }
0xaa: {  	v3 =	vperm.xlane v3, v2  }
0xab: {  	[tilespmem:s13], [sflag:$0x1] =	stream.indirect_vreg.gather [hbm4b:s4+s2], $0x80, v4, vm0, $0xb8;
	[tilespmem:$0x10080] =	vst v63  }
0xac: {  	v3 =	vadd.s32 v1, v3  }
0xad: {  	[tilespmem:s14], [sflag:$0x1] =	stream.indirect_vreg.gather [hbm4b:s5+s2], $0x80, v4, vm0, $0xb8;
	[tilespmem:$0x10080] =	vst v63  }
0xae: {  	_ = 	snop  }
0xaf: {  	[tilespmem:s15], [sflag:$0x1] =	stream.indirect_vreg.gather [hbm4b:s6+s2], $0x80, v4, vm0, $0xb8;
	[tilespmem:$0x10080] =	vst v63  }
0xb0: {  	_ = 	snop  }
0xb1: {  	[tilespmem:s16], [sflag:$0x1] =	stream.indirect_vreg.gather [hbm4b:s3+s2], $0x80, v3, vm0, $0xb8;
	[tilespmem:$0x10080] =	vst v63  }
0xb2: {  	_ = 	snop  }
0xb3: {  	[tilespmem:s17], [sflag:$0x1] =	stream.indirect_vreg.gather [hbm4b:s4+s2], $0x80, v3, vm0, $0xb8;
	[tilespmem:$0x10080] =	vst v63  }
0xb4: {  	_ = 	snop  }
0xb5: {  	[tilespmem:s9], [sflag:$0x1] =	stream.indirect_vreg.gather [hbm4b:s5+s2], $0x80, v3, vm0, $0xb8;
	[tilespmem:$0x10080] =	vst v63  }
0xb6: {  	s19 =	simm.s32 $0xB880  }
0xb7: {  	[tilespmem:s19], [sflag:$0x1] =	stream.indirect_vreg.gather [hbm4b:s6+s2], $0x80, v3, vm0, $0xb8;
	[tilespmem:$0x10080] =	vst v63  }
0xb8: {  	v3 =	vld [tilespmem:$0x30];
	_ =	sdelay $0x4  }
0xb9: {  	v63 =	vshll.u32 v3, $0x3  }
0xba: {  	v3 =	vand.u32 $0x7, v3;
	v4 =	vand.u32 $0xFFFFFFC0, v63  }
0xbb: {  	v3 =	vor.u32 v3, v4  }
0xbc: {  	v4 =	vperm.xlane v3, v0;
	_ =	sdelay $0x1  }
0xbd: {  	v4 =	vadd.s32 v1, v4;
	_ =	sdelay $0x3  }
0xbe: {  	s19 =	simm.s32 $0xC080  }
0xbf: {  	[tilespmem:s19], [sflag:$0x1] =	stream.indirect_vreg.gather [hbm4b:s3+s2], $0x80, v4, vm0, $0xb8;
	[tilespmem:$0x10080] =	vst v63  }
0xc0: {  	v3 =	vperm.xlane v3, v2;
	s19 =	simm.s32 $0xC880  }
0xc1: {  	[tilespmem:s19], [sflag:$0x1] =	stream.indirect_vreg.gather [hbm4b:s4+s2], $0x80, v4, vm0, $0xb8;
	[tilespmem:$0x10080] =	vst v63  }
0xc2: {  	v3 =	vadd.s32 v1, v3;
	s19 =	simm.s32 $0xD080  }
0xc3: {  	[tilespmem:s19], [sflag:$0x1] =	stream.indirect_vreg.gather [hbm4b:s5+s2], $0x80, v4, vm0, $0xb8;
	[tilespmem:$0x10080] =	vst v63  }
0xc4: {  	s19 =	simm.s32 $0xD880  }
0xc5: {  	[tilespmem:s19], [sflag:$0x1] =	stream.indirect_vreg.gather [hbm4b:s6+s2], $0x80, v4, vm0, $0xb8;
	[tilespmem:$0x10080] =	vst v63  }
0xc6: {  	s19 =	simm.s32 $0xE080  }
0xc7: {  	[tilespmem:s19], [sflag:$0x1] =	stream.indirect_vreg.gather [hbm4b:s3+s2], $0x80, v3, vm0, $0xb8;
	[tilespmem:$0x10080] =	vst v63  }
0xc8: {  	s19 =	simm.s32 $0xE880  }
0xc9: {  	[tilespmem:s19], [sflag:$0x1] =	stream.indirect_vreg.gather [hbm4b:s4+s2], $0x80, v3, vm0, $0xb8;
	[tilespmem:$0x10080] =	vst v63  }
0xca: {  	s19 =	simm.s32 $0xF080  }
0xcb: {  	[tilespmem:s19], [sflag:$0x1] =	stream.indirect_vreg.gather [hbm4b:s5+s2], $0x80, v3, vm0, $0xb8;
	[tilespmem:$0x10080] =	vst v63  }
0xcc: {  	s19 =	simm.s32 $0xF880  }
0xcd: {  	[tilespmem:s19], [sflag:$0x1] =	stream.indirect_vreg.gather [hbm4b:s6+s2], $0x80, v3, vm0, $0xb8;
	[tilespmem:$0x10080] =	vst v63  }
0xce: {  	_ =	swait.ge [sflag:s18], $0x10000  }
0xcf: {  	p0 =	sne.s32 s7, $0x1;
	[sflag:s18] =	ssyncset.done $0x0  }
.Ltmp0:
0xd0: {  	s1 =	rddreg [dreg:$0x5];
	[sflag:s18] =	ssyncadd.s32 $0xFFFF0000;
	(pc) =	sbr.rel @p0 .LBB2_1-.Ltmp0, $4  }
0xd1: {  	[hbm4b:s1+s2] =	stream.linear.scatter [tilespmem:s0], [sflag:$0x2], $0x10000, $0x38;
	[tilespmem:$0x10080] =	vst v63  }
0xd2: {  	_ =	swait.ge [sflag:s8], $0x10000  }
0xd3: {  	[sflag:s8] =	ssyncset.done $0x0  }
0xd4: {  	s7 =	sadd.s32 $0xFFFFFFFF, s7;
	[sflag:s8] =	ssyncadd.s32 $0xFFFF0000  }
0xd5: {  	_ =	sfence.sel $0x180000  }
0xd6: {  	[bflag:$0x0] =	sbarrier.arrive $0xFFFF  }
0xd7: {  	_ =	strace $0x9000004D  }
0xd8: {  	s0 =	stileid.u32;
	[bflag:$0x2] =	sbarrier.arrive $0xFFFF  }
0xd9: {  	p0 =	sne.s32 s0, $0x0;
	s0 =	rddreg [dreg:$0x1]  }
0xda: {  	s0 =	sadd.s32 @!p0 $0x100000, s0  }
0xdb: {  	[sflag:s0] =	ssyncadd.tile.s32 @!p0 $0x1;
	_ =	shalt  }
.Lfunc_end2:
_tile_overlayer_lowered:
.L_overlay_start_2:
0xdc: {  	(tag) =	ssettag $0x2  }
0xdd: {  	s0 =	rddreg [dreg:$0x0];
	s2 =	stileid.u32  }
0xde: {  	s1 =	rddreg [dreg:$0x1];
	p0 =	sne.s32 s2, $0x0  }
0xdf: {  	s3 =	rddreg [dreg:$0x2];
	[bflag:$0x3] =	sbarrier.arrive $0xFFFF;
	s2 =	simm.s32 @!p0 $0x1C02  }
0xe0: {  	[timem:s3], [sflag:s2] =	dma.local @!p0 [hbm:s0], s1  }
0xe1: {  	s0 =	simm.s32 @!p0 $0x2  }
0xe2: {  	_ =	swait.ge @!p0 [sflag:s0], s1  }
0xe3: {  	s1 =	ssub.s32 @!p0 $0x0, s1;
	[sflag:s0] =	ssyncset.done @!p0 $0x0  }
0xe4: {  	[sflag:s0] =	ssyncadd.s32 @!p0 s1  }
0xe5: {  	[bflag:$0x3] =	sbarrier.arrive $0xFFFF  }
0xe6: {  	_ =	shalt  }

// kernel: kernel.8.cloned.1.call-start
scs
__scs_entry_jumppad:
0x0: {  	(pc) =	sbr.rel $0x88, $3  }
0x1: {  	(tag) =	ssettag $0x0;
	lr =	simm.s32 $0x1  }
0x2: {  	[smem:$0x3F9A] =	sst lr;
	_ =	strace $0xD0000000  }
0x3: {  	_ = 	snop  }
0x4: {  	_ = 	snop  }
0x5: {  	_ = 	snop  }
0x6: {  	_ = 	snop  }
0x7: {  	_ = 	snop  }
__scs_overlays_trampoline_lowered:
0x8: {  	[smem:$0x3FA9] =	sst s0  }
0x9: {  	[smem:$0x3FAA] =	sst s1  }
0xa: {  	[smem:$0x3FAB] =	sst s2  }
0xb: {  	[smem:$0x3FAC] =	sst s3  }
0xc: {  	[smem:$0x3FAD] =	sst s4  }
0xd: {  	[smem:$0x3FAE] =	sst s5  }
0xe: {  	[smem:$0x3FAF] =	sst s6  }
0xf: {  	[smem:$0x3FB0] =	sst s7  }
0x10: {  	[smem:$0x3FB1] =	sst s8  }
0x11: {  	[smem:$0x3FB2] =	sst s9;
	s0 =	simm.s32 @!p0 $0x0  }
0x12: {  	s1 =	sld [smem:$0x3F98];
	s0 =	simm.s32 @p0 $0x1  }
0x13: {  	[smem:$0x3FB3] =	sst s0;
	s0 =	simm.s32 @!p1 $0x0  }
0x14: {  	s2 =	sld [smem:$0x3F97];
	s0 =	simm.s32 @p1 $0x1  }
0x15: {  	[smem:$0x3FB4] =	sst s0;
	s0 =	simm.s32 @!p2 $0x0  }
0x16: {  	s3 =	sld [smem:$0x3FDB];
	s0 =	simm.s32 @p2 $0x1  }
0x17: {  	s4 =	simm.s32 $0x1BF5;
	[smem:$0x3FB6] =	sst s0  }
0x18: {  	s0 =	sld [smem:$0x3F99];
	_ =	swait.ge [sflag:s4], $0x0  }
0x19: {  	s7 =	sld [smem:$0x3F9A]  }
0x1a: {  	s8 =	sadd.s32 $0xFFFFE003, lr  }
0x1b: {  	s9 =	sadd.s32 $0xFFFFFEF7, lr;
	s5 =	simm.s32 $0xFFFFFFFF;
	p2 =	slt.u32 s8, $0xFFFFF086  }
0x1c: {  	p1 =	slt.u32 s9, $0xF7A;
	s5 =	simm.s32 @!p2 $0x0  }
0x1d: {  	s5 =	simm.s32 @p1 $0x1;
	p0 =	seq.s32 s7, s2  }
0x1e: {  	s7 =	smul.u32 @!p0 $0xF7A, s2;
	p2 =	seq.s32 @!p0 s5, $0x0  }
0x1f: {  	s9 =	smul.u32 $0xF7A, s1;
	s8 =	simm.s32 @!p0 $0x1BF5;
	p2 =	por !p2, p0  }
0x20: {  	[sflag:s8] =	ssyncset.s32 @!p0 $0xFFFFF086;
	s6 =	sadd.s32 @!p0 s3, s7;
	s7 =	simm.s32 @!p0 $0x108  }
0x21: {  	s3 =	sadd.s32 s3, s9;
	s6 =	sadd.s32 @!p0 $0x88, s6;
	s7 =	simm.s32 @p2 $0x1082  }
0x22: {  	[simem:s7], [sflag:s8] =	dma.local @!p0 [hbm:s6], $0xF7A  }
0x23: {  	s9 =	sor.u32 $0xD0000000, s2;
	s6 =	simm.s32 $0x108;
	_ =	swait.ge @!p0 [sflag:s8], $0x0  }
0x24: {  	s3 =	sadd.s32 $0x88, s3;
	s6 =	simm.s32 @!p1 $0x1082;
	[sflag:s4] =	ssyncset.s32 $0xFFFFF086  }
0x25: {  	[simem:s6], [sflag:s4] =	dma.local [hbm:s3], $0xF7A  }
0x26: {  	[smem:$0x3F9A] =	sst s1;
	(tag) =	ssettag s2;
	_ =	strace s9  }
0x27: {  	s1 =	sld [smem:$0x3FAA]  }
0x28: {  	s2 =	sld [smem:$0x3FAB]  }
0x29: {  	s4 =	sld [smem:$0x3FAD]  }
0x2a: {  	p0 =	seq.s32 s5, $0x0;
	s5 =	sld [smem:$0x3FAE]  }
0x2b: {  	s6 =	sld [smem:$0x3FAF]  }
0x2c: {  	s7 =	sld [smem:$0x3FB0]  }
0x2d: {  	s3 =	simm.s32 $0x108;
	s8 =	sld [smem:$0x3FB1]  }
0x2e: {  	s3 =	simm.s32 @!p0 $0x1082;
	s9 =	sld [smem:$0x3FB2]  }
0x2f: {  	lr =	sadd.s32 s0, s3;
	s0 =	sld [smem:$0x3FA9]  }
0x30: {  	s3 =	sld [smem:$0x3FAC]  }
0x31: {  	[smem:$0x3FB5] =	sst s10  }
0x32: {  	s10 =	sld [smem:$0x3FB3];
	_ =	sdelay $0x3  }
0x33: {  	p0 =	seq.s32 s10, $0x1;
	s10 =	sld [smem:$0x3FB5];
	_ =	sdelay $0x3  }
0x34: {  	[smem:$0x3FB5] =	sst s10  }
0x35: {  	s10 =	sld [smem:$0x3FB4];
	_ =	sdelay $0x3  }
0x36: {  	p1 =	seq.s32 s10, $0x1;
	s10 =	sld [smem:$0x3FB5];
	_ =	sdelay $0x3  }
0x37: {  	[smem:$0x3FB5] =	sst s10  }
0x38: {  	s10 =	sld [smem:$0x3FB6]  }
0x39: {  	_ = 	snop;
	(pc) =	sbr.ind lr, $3  }
0x3a: {  	_ = 	snop  }
0x3b: {  	_ = 	snop  }
0x3c: {  	p2 =	seq.s32 s10, $0x1;
	s10 =	sld [smem:$0x3FB5]  }
0x3d: {  	_ =	shalt  }
0x3e: {  	_ =	shalt  }
0x3f: {  	_ =	shalt  }
0x40: {  	_ =	shalt  }
0x41: {  	_ =	shalt  }
0x42: {  	_ =	shalt  }
0x43: {  	_ =	shalt  }
0x44: {  	_ =	shalt  }
0x45: {  	_ =	shalt  }
0x46: {  	_ =	shalt  }
0x47: {  	_ =	shalt  }
0x48: {  	_ =	shalt  }
0x49: {  	_ =	shalt  }
0x4a: {  	_ =	shalt  }
0x4b: {  	_ =	shalt  }
0x4c: {  	_ =	shalt  }
0x4d: {  	_ =	shalt  }
0x4e: {  	_ =	shalt  }
0x4f: {  	_ =	shalt  }
0x50: {  	_ =	shalt  }
0x51: {  	_ =	shalt  }
0x52: {  	_ =	shalt  }
0x53: {  	_ =	shalt  }
0x54: {  	_ =	shalt  }
0x55: {  	_ =	shalt  }
0x56: {  	_ =	shalt  }
0x57: {  	_ =	shalt  }
0x58: {  	_ =	shalt  }
0x59: {  	_ =	shalt  }
0x5a: {  	_ =	shalt  }
0x5b: {  	_ =	shalt  }
0x5c: {  	_ =	shalt  }
0x5d: {  	_ =	shalt  }
0x5e: {  	_ =	shalt  }
0x5f: {  	_ =	shalt  }
0x60: {  	_ =	shalt  }
0x61: {  	_ =	shalt  }
0x62: {  	_ =	shalt  }
0x63: {  	_ =	shalt  }
0x64: {  	_ =	shalt  }
0x65: {  	_ =	shalt  }
0x66: {  	_ =	shalt  }
0x67: {  	_ =	shalt  }
0x68: {  	_ =	shalt  }
0x69: {  	_ =	shalt  }
0x6a: {  	_ =	shalt  }
0x6b: {  	_ =	shalt  }
0x6c: {  	_ =	shalt  }
0x6d: {  	_ =	shalt  }
0x6e: {  	_ =	shalt  }
0x6f: {  	_ =	shalt  }
0x70: {  	_ =	shalt  }
0x71: {  	_ =	shalt  }
0x72: {  	_ =	shalt  }
0x73: {  	_ =	shalt  }
0x74: {  	_ =	shalt  }
0x75: {  	_ =	shalt  }
0x76: {  	_ =	shalt  }
0x77: {  	_ =	shalt  }
0x78: {  	_ =	shalt  }
0x79: {  	_ =	shalt  }
0x7a: {  	_ =	shalt  }
0x7b: {  	_ =	shalt  }
0x7c: {  	_ =	shalt  }
0x7d: {  	_ =	shalt  }
0x7e: {  	_ =	shalt  }
0x7f: {  	_ =	shalt  }
0x80: {  	_ =	shalt  }
0x81: {  	_ =	shalt  }
0x82: {  	_ =	shalt  }
0x83: {  	_ =	shalt  }
0x84: {  	_ =	shalt  }
0x85: {  	_ =	shalt  }
0x86: {  	_ =	shalt  }
0x87: {  	_ =	shalt  }
.Lfunc_end0:
.L_simem_size_0:
called_computation.1_lowered:
.L_overlay_start_0:
0x88: {  	s2 =	sld [smem:$0x3FD9]  }
0x89: {  	s3 =	sld [smem:$0x3FFE];
	_ =	sdelay $0x1  }
0x8a: {  	s1 =	srdreg.scid  }
0x8b: {  	s0 =	sand.u32 $0x1, s1  }
0x8c: {  	s17 =	sshll.u32 s0, $0xA;
	s2 =	sadd.s32 s3, s2  }
0x8d: {  	s2 =	sadd.s32 s2, s17  }
0x8e: {  	[smem:$0x3FC1] =	sst s2  }
0x8f: {  	_ = 	snop  }
0x90: {  	s18 =	sld [smem:$0x3FC9];
	(tm) =	ssettm $0x1  }
0x91: {  	s19 =	sld [smem:$0x3FFB];
	_ =	sdelay $0x3  }
0x92: {  	_ =	strace s19  }
0x93: {  	s2 =	sld [smem:$0x3FFC];
	_ =	sdelay $0x3  }
0x94: {  	_ =	strace s2  }
0x95: {  	s2 =	sld [smem:$0x3FFD];
	_ =	sdelay $0x3  }
0x96: {  	_ =	strace s2  }
0x97: {  	_ =	strace $0x8FFFFFFF  }
0x98: {  	s20 =	sld [smem:$0x3FDB];
	_ =	sdelay $0x1  }
0x99: {  	s4 =	simm.s32 $_scs_section_size  }
0x9a: {  	s5 =	simm.s32 $_size__tile_overlayer_lowered;
	s6 =	simm.s32 $_tile_overlayer_lowered  }
0x9b: {  	s7 =	simm.s32 $0x1BFF;
	s21 =	sshll.u32 s6, $0x1;
	s4 =	sadd.s32 s4, s20  }
0x9c: {  	s22 =	simm.s32 $0x0;
	s5 =	sshll.u32 s5, $0x1;
	s6 =	sadd.s32 s21, s4  }
0x9d: {  	[timem:s22], [sflag:s7] =	dma.local [hbm:s6], s5  }
0x9e: {  	_ =	swait.ge [sflag:s7], s5  }
0x9f: {  	s5 =	ssub.s32 $0x0, s5;
	[sflag:s7] =	ssyncset.done $0x0  }
0xa0: {  	[sflag:s7] =	ssyncadd.s32 s5;
	_ =	sdelay $0x1  }
0xa1: {  	s23 =	simm.s32 $0x1B8B  }
0xa2: {  	_ =	swait.ge [sflag:s23], $0x1  }
0xa3: {  	[sflag:s23] =	ssyncset.done $0x0  }
0xa4: {  	[sflag:s23] =	ssyncadd.s32 $0xFFFFFFFF  }
0xa5: {  	s5 =	sld [smem:$0x0]  }
0xa6: {  	s6 =	sand.u32 $0xFFFFFFFE, s1  }
0xa7: {  	p0 =	sne.s32 s1, s6  }
0xa8: {  	s6 =	sshll.u32 @p0 s6, $0xE  }
0xa9: {  	s6 =	sadd.s32 @p0 $0x11B8D, s6;
	s7 =	sshll.u32 @p0 s5, $0x11  }
0xaa: {  	s6 =	sor.u32 @p0 s7, s6  }
0xab: {  	[sflag:s6] =	ssyncadd.remote.s32 @p0 $0x1;
	_ =	sdelay $0x1  }
0xac: {  	s6 =	simm.s32 @p0 $0x1B8D  }
0xad: {  	_ =	swait.eq @p0 [sflag:s6], $0x1  }
0xae: {  	[sflag:s6] =	ssyncadd.s32 @p0 $0xFFFFFFFF  }
0xaf: {  	s7 =	sshll.u32 @!p0 s1, $0xE  }
0xb0: {  	s7 =	sor.u32 @!p0 $0x4000, s7;
	s6 =	simm.s32 @!p0 $0x1B8D  }
0xb1: {  	s5 =	sshll.u32 @!p0 s5, $0x11;
	s7 =	sadd.s32 @!p0 $0x11B8D, s7;
	_ =	swait.eq @!p0 [sflag:s6], $0x1  }
0xb2: {  	s5 =	sor.u32 @!p0 s5, s7;
	[sflag:s6] =	ssyncadd.s32 @!p0 $0xFFFFFFFF  }
0xb3: {  	s25 =	simm.s32 $0x1B8E;
	s24 =	sld [smem:$0x3FFE];
	[sflag:s5] =	ssyncadd.remote.s32 @!p0 $0x1  }
0xb4: {  	s26 =	simm.s32 $execute0_lowered;
	[smem:$0x3FD2] =	sst s25  }
0xb5: {  	s6 =	sshll.u32 s26, $0x1;
	_ =	strace $0x80000049;
	[dreg:$0x1] =	wrdreg $0xFFFFFFFF  }
0xb6: {  	s28 =	simm.s32 $_size_execute0_lowered;
	s4 =	sadd.s32 s4, s6;
	[dreg:$0x0] =	wrdreg $0x0  }
0xb7: {  	s6 =	sshll.u32 s28, $0x1;
	[dreg:$0x2] =	wrdreg s4  }
0xb8: {  	[dreg:$0x3] =	wrdreg s6  }
0xb9: {  	[dreg:$0x4] =	wrdreg $0xC0  }
0xba: {  	_ =	task [dreg:s22], $0x5FFFF  }
0xbb: {  	[dreg:$0x1] =	wrdreg $0xFFFFFFFF  }
0xbc: {  	[dreg:$0x0] =	wrdreg $0x60  }
0xbd: {  	[dreg:$0x2] =	wrdreg s18  }
0xbe: {  	[dreg:$0x3] =	wrdreg s24  }
0xbf: {  	[dreg:$0x4] =	wrdreg $0xA  }
0xc0: {  	_ =	task.clear_ibuf [dreg:s22], $0x5FFFF;
	_ =	strace $0x90000049  }
0xc1: {  	s29 =	simm.s32 $0xA;
	_ =	strace $0x8000004B  }
0xc2: {  	_ =	swait.ge [sflag:s29], $0x1  }
0xc3: {  	[sflag:s29] =	ssyncadd.s32 $0xFFFFFFFF  }
0xc4: {  	_ =	strace $0x9000004B  }
0xc5: {  	_ =	sfence  }
0xc6: {  	s30 =	sld [smem:$0x0];
	_ =	sdelay $0x2  }
0xc7: {  	s31 =	sshll.u32 s1, $0xD;
	s1 =	sshrl.u32 s1, $0x2  }
0xc8: {  	s4 =	sand.u32 $0x4000, s31;
	s1 =	sadd.s32 s1, s30  }
0xc9: {  	s0 =	sor.u32 s4, s0;
	s1 =	sshll.u32 s1, $0x11  }
0xca: {  	s0 =	sor.u32 s1, s0  }
0xcb: {  	s0 =	sadd.s32 $0x8F2B, s0  }
0xcc: {  	[sflag:s0] =	ssyncadd.remote.s32 $0x1  }
0xcd: {  	_ =	sfence.sel $0xFFFF  }
0xce: {  	[dreg:$0x0] =	wrdreg $0xFFFFFFFF;
	(pc) =	sbr.abs _section_cstart, $3  }
0xcf: {  	[dreg:$0x1] =	wrdreg $0xFFFFFFFF  }
0xd0: {  	_ =	task.clear_ibuf [dreg:s22], $0x2FFFF;
	_ =	strace $0x9FFFFFFF  }
0xd1: {  	(tm) =	ssettm $0x7FFFFFFF  }
tec
execute0_lowered:
.L_overlay_start_1:
0x0: {  	(tag) =	ssettag $0x1  }
0x1: {  	s1 =	rddreg [dreg:$0x0]  }
0x2: {  	s0 =	rddreg [dreg:$0x1];
	s3 =	simm.s32 $0x0;
	s2 =	srdreg.scid  }
0x3: {  	s4 =	stileid.u32;
	s12 =	simm.s32 $0x2;
	s26 =	simm.s32 $0x1  }
0x4: {  	[smem:$0x7FF] =	sst s3;
	s2 =	sand.u32 $0x1, s2;
	s4 =	sshll.u32 s4, $0x5  }
0x5: {  	s9 =	sadd.s32 $0x600, s0;
	s8 =	sadd.s32 $0x2500, s0;
	s5 =	sshll.u32 s2, $0x4  }
0x6: {  	_ =	strace $0x8000004A;
	s2 =	ssub.s32 $0x2, s2;
	s6 =	sor.u32 s5, s4  }
0x7: {  	s4 =	sadd.s32 $0x2400, s0;
	s29 =	sshrl.u32 s2, $0x1;
	s5 =	sadd.s32 $0x100, s1  }
0x8: {  	s7 =	sadd.s32 s0, s6;
	s2 =	ssub.s32 s2, s29;
	s30 =	sadd.s32 s9, s6  }
0x9: {  	s10 =	sor.u32 $0x8, s6;
	s6 =	sadd.s32 $0x200, s1;
	[dreg:$0x3] =	wrdreg s7  }
0xa: {  	v2 =	vlaneseq.u32;
	[dreg:$0x4] =	wrdreg s30;
	s7 =	sadd.s32 $0x300, s1;
	s11 =	sadd.s32 s0, s10  }
0xb: {  	vm0 =	vmmov $0xffff;
	v1 =	vshrl.u32 v2, $0x3;
	s31 =	sadd.s32 s9, s10;
	s9 =	sadd.s32 $0x2600, s0;
	[dreg:$0x5] =	wrdreg s11  }
0xc: {  	v0 =	vand.u32 $0x7, v2;
	v2 =	vor.u32 $0x8, v2;
	v1 =	vmul.u32 $0x8, v1;
	s10 =	sadd.s32 $0x2700, s0;
	[dreg:$0x6] =	wrdreg s31;
	s11 =	smax.u32 s2, $0x1  }
.LBB2_1:
0xd: {  	s28 =	rddreg [dreg:$0x3]  }
0xe: {  	[tilespmem:s3], [sflag:$0x2] =	stream.linear.gather [hbm4b:s28+s3], $0x40, $0x38;
	[tilespmem:$0x10100] =	vst v63  }
0xf: {  	_ =	swait.ge [sflag:s12], $0x40  }
0x10: {  	[sflag:s12] =	ssyncset.done $0x0  }
0x11: {  	s0 =	simm.s32 $0x80;
	s15 =	rddreg [dreg:$0x4];
	[sflag:s12] =	ssyncadd.s32 $0xFFFFFFC0  }
0x12: {  	[tilespmem:s0], [sflag:$0x2] =	stream.linear.gather [hbm4b:s15+s3], $0x40, $0x38;
	[tilespmem:$0x10100] =	vst v63  }
0x13: {  	_ =	swait.ge [sflag:s12], $0x40  }
0x14: {  	[sflag:s12] =	ssyncset.done $0x0  }
0x15: {  	[sflag:s12] =	ssyncadd.s32 $0xFFFFFFC0  }
0x16: {  	v3 =	vld [tilespmem:$0x0];
	_ =	sdelay $0x4  }
0x17: {  	v4 =	vshll.u32 v3, $0x3  }
0x18: {  	v3 =	vand.u32 $0x7, v3;
	v4 =	vand.u32 $0xFFFFFFC0, v4  }
0x19: {  	v3 =	vor.u32 v3, v4  }
0x1a: {  	v4 =	vperm.xlane v3, v0;
	_ =	sdelay $0x1  }
0x1b: {  	v4 =	vadd.s32 v1, v4;
	_ =	sdelay $0x3  }
0x1c: {  	s16 =	simm.s32 $0x100  }
0x1d: {  	[tilespmem:s16], [sflag:$0x1] =	stream.indirect_vreg.gather [hbm4b:s1+s3], $0x80, v4, vm0, $0xb8;
	[tilespmem:$0x10100] =	vst v63  }
0x1e: {  	s17 =	simm.s32 $0x900;
	v3 =	vperm.xlane v3, v2  }
0x1f: {  	[tilespmem:s17], [sflag:$0x1] =	stream.indirect_vreg.gather [hbm4b:s5+s3], $0x80, v4, vm0, $0xb8;
	[tilespmem:$0x10100] =	vst v63  }
0x20: {  	s18 =	simm.s32 $0x1100;
	v3 =	vadd.s32 v1, v3  }
0x21: {  	[tilespmem:s18], [sflag:$0x1] =	stream.indirect_vreg.gather [hbm4b:s6+s3], $0x80, v4, vm0, $0xb8;
	[tilespmem:$0x10100] =	vst v63  }
0x22: {  	s19 =	simm.s32 $0x1900  }
0x23: {  	[tilespmem:s19], [sflag:$0x1] =	stream.indirect_vreg.gather [hbm4b:s7+s3], $0x80, v4, vm0, $0xb8;
	[tilespmem:$0x10100] =	vst v63  }
0x24: {  	s20 =	simm.s32 $0x2100  }
0x25: {  	[tilespmem:s20], [sflag:$0x1] =	stream.indirect_vreg.gather [hbm4b:s1+s3], $0x80, v3, vm0, $0xb8;
	[tilespmem:$0x10100] =	vst v63  }
0x26: {  	s21 =	simm.s32 $0x2900  }
0x27: {  	[tilespmem:s21], [sflag:$0x1] =	stream.indirect_vreg.gather [hbm4b:s5+s3], $0x80, v3, vm0, $0xb8;
	[tilespmem:$0x10100] =	vst v63  }
0x28: {  	s22 =	simm.s32 $0x3100  }
0x29: {  	[tilespmem:s22], [sflag:$0x1] =	stream.indirect_vreg.gather [hbm4b:s6+s3], $0x80, v3, vm0, $0xb8;
	[tilespmem:$0x10100] =	vst v63  }
0x2a: {  	s23 =	simm.s32 $0x3900  }
0x2b: {  	[tilespmem:s23], [sflag:$0x1] =	stream.indirect_vreg.gather [hbm4b:s7+s3], $0x80, v3, vm0, $0xb8;
	[tilespmem:$0x10100] =	vst v63  }
0x2c: {  	v3 =	vld [tilespmem:$0x10];
	_ =	sdelay $0x4  }
0x2d: {  	v49 =	vshll.u32 v3, $0x3  }
0x2e: {  	v3 =	vand.u32 $0x7, v3;
	v4 =	vand.u32 $0xFFFFFFC0, v49  }
0x2f: {  	v3 =	vor.u32 v3, v4  }
0x30: {  	v4 =	vperm.xlane v3, v0;
	_ =	sdelay $0x1  }
0x31: {  	v4 =	vadd.s32 v1, v4;
	_ =	sdelay $0x3  }
0x32: {  	s24 =	simm.s32 $0x4100  }
0x33: {  	[tilespmem:s24], [sflag:$0x1] =	stream.indirect_vreg.gather [hbm4b:s1+s3], $0x80, v4, vm0, $0xb8;
	[tilespmem:$0x10100] =	vst v63  }
0x34: {  	s25 =	simm.s32 $0x4900;
	v3 =	vperm.xlane v3, v2  }
0x35: {  	[tilespmem:s25], [sflag:$0x1] =	stream.indirect_vreg.gather [hbm4b:s5+s3], $0x80, v4, vm0, $0xb8;
	[tilespmem:$0x10100] =	vst v63  }
0x36: {  	s28 =	simm.s32 $0x5100;
	v3 =	vadd.s32 v1, v3  }
0x37: {  	[tilespmem:s28], [sflag:$0x1] =	stream.indirect_vreg.gather [hbm4b:s6+s3], $0x80, v4, vm0, $0xb8;
	[tilespmem:$0x10100] =	vst v63  }
0x38: {  	s29 =	simm.s32 $0x5900  }
0x39: {  	[tilespmem:s29], [sflag:$0x1] =	stream.indirect_vreg.gather [hbm4b:s7+s3], $0x80, v4, vm0, $0xb8;
	[tilespmem:$0x10100] =	vst v63  }
0x3a: {  	s30 =	simm.s32 $0x6100  }
0x3b: {  	[tilespmem:s30], [sflag:$0x1] =	stream.indirect_vreg.gather [hbm4b:s1+s3], $0x80, v3, vm0, $0xb8;
	[tilespmem:$0x10100] =	vst v63  }
0x3c: {  	s31 =	simm.s32 $0x6900  }
0x3d: {  	[tilespmem:s31], [sflag:$0x1] =	stream.indirect_vreg.gather [hbm4b:s5+s3], $0x80, v3, vm0, $0xb8;
	[tilespmem:$0x10100] =	vst v63  }
0x3e: {  	s14 =	simm.s32 $0x7100  }
0x3f: {  	[tilespmem:s14], [sflag:$0x1] =	stream.indirect_vreg.gather [hbm4b:s6+s3], $0x80, v3, vm0, $0xb8;
	[tilespmem:$0x10100] =	vst v63  }
0x40: {  	s15 =	simm.s32 $0x7900  }
0x41: {  	[tilespmem:s15], [sflag:$0x1] =	stream.indirect_vreg.gather [hbm4b:s7+s3], $0x80, v3, vm0, $0xb8;
	[tilespmem:$0x10100] =	vst v63  }
0x42: {  	v3 =	vld [tilespmem:$0x20];
	_ =	sdelay $0x4  }
0x43: {  	v50 =	vshll.u32 v3, $0x3  }
0x44: {  	v3 =	vand.u32 $0x7, v3;
	v4 =	vand.u32 $0xFFFFFFC0, v50  }
0x45: {  	v3 =	vor.u32 v3, v4  }
0x46: {  	v4 =	vperm.xlane v3, v0;
	_ =	sdelay $0x1  }
0x47: {  	v4 =	vadd.s32 v1, v4;
	_ =	sdelay $0x3  }
0x48: {  	s19 =	simm.s32 $0x8100  }
0x49: {  	[tilespmem:s19], [sflag:$0x1] =	stream.indirect_vreg.gather [hbm4b:s1+s3], $0x80, v4, vm0, $0xb8;
	[tilespmem:$0x10100] =	vst v63  }
0x4a: {  	s20 =	simm.s32 $0x8900;
	v3 =	vperm.xlane v3, v2  }
0x4b: {  	[tilespmem:s20], [sflag:$0x1] =	stream.indirect_vreg.gather [hbm4b:s5+s3], $0x80, v4, vm0, $0xb8;
	[tilespmem:$0x10100] =	vst v63  }
0x4c: {  	s21 =	simm.s32 $0x9100;
	v3 =	vadd.s32 v1, v3  }
0x4d: {  	[tilespmem:s21], [sflag:$0x1] =	stream.indirect_vreg.gather [hbm4b:s6+s3], $0x80, v4, vm0, $0xb8;
	[tilespmem:$0x10100] =	vst v63  }
0x4e: {  	s22 =	simm.s32 $0x9900  }
0x4f: {  	[tilespmem:s22], [sflag:$0x1] =	stream.indirect_vreg.gather [hbm4b:s7+s3], $0x80, v4, vm0, $0xb8;
	[tilespmem:$0x10100] =	vst v63  }
0x50: {  	s23 =	simm.s32 $0xA100  }
0x51: {  	[tilespmem:s23], [sflag:$0x1] =	stream.indirect_vreg.gather [hbm4b:s1+s3], $0x80, v3, vm0, $0xb8;
	[tilespmem:$0x10100] =	vst v63  }
0x52: {  	s24 =	simm.s32 $0xA900  }
0x53: {  	[tilespmem:s24], [sflag:$0x1] =	stream.indirect_vreg.gather [hbm4b:s5+s3], $0x80, v3, vm0, $0xb8;
	[tilespmem:$0x10100] =	vst v63  }
0x54: {  	s25 =	simm.s32 $0xB100  }
0x55: {  	[tilespmem:s25], [sflag:$0x1] =	stream.indirect_vreg.gather [hbm4b:s6+s3], $0x80, v3, vm0, $0xb8;
	[tilespmem:$0x10100] =	vst v63  }
0x56: {  	s30 =	simm.s32 $0xB900  }
0x57: {  	[tilespmem:s30], [sflag:$0x1] =	stream.indirect_vreg.gather [hbm4b:s7+s3], $0x80, v3, vm0, $0xb8;
	[tilespmem:$0x10100] =	vst v63  }
0x58: {  	v3 =	vld [tilespmem:$0x30];
	_ =	sdelay $0x4  }
0x59: {  	v51 =	vshll.u32 v3, $0x3  }
0x5a: {  	v3 =	vand.u32 $0x7, v3;
	v4 =	vand.u32 $0xFFFFFFC0, v51  }
0x5b: {  	v3 =	vor.u32 v3, v4  }
0x5c: {  	v4 =	vperm.xlane v3, v0;
	_ =	sdelay $0x1  }
0x5d: {  	v4 =	vadd.s32 v1, v4;
	_ =	sdelay $0x3  }
0x5e: {  	s31 =	simm.s32 $0xC100  }
0x5f: {  	[tilespmem:s31], [sflag:$0x1] =	stream.indirect_vreg.gather [hbm4b:s1+s3], $0x80, v4, vm0, $0xb8;
	[tilespmem:$0x10100] =	vst v63  }
0x60: {  	s0 =	simm.s32 $0xC900;
	v3 =	vperm.xlane v3, v2  }
0x61: {  	[tilespmem:s0], [sflag:$0x1] =	stream.indirect_vreg.gather [hbm4b:s5+s3], $0x80, v4, vm0, $0xb8;
	[tilespmem:$0x10100] =	vst v63  }
0x62: {  	s14 =	simm.s32 $0xD100;
	v3 =	vadd.s32 v1, v3  }
0x63: {  	[tilespmem:s14], [sflag:$0x1] =	stream.indirect_vreg.gather [hbm4b:s6+s3], $0x80, v4, vm0, $0xb8;
	[tilespmem:$0x10100] =	vst v63  }
0x64: {  	s15 =	simm.s32 $0xD900  }
0x65: {  	[tilespmem:s15], [sflag:$0x1] =	stream.indirect_vreg.gather [hbm4b:s7+s3], $0x80, v4, vm0, $0xb8;
	[tilespmem:$0x10100] =	vst v63  }
0x66: {  	s19 =	simm.s32 $0xE100  }
0x67: {  	[tilespmem:s19], [sflag:$0x1] =	stream.indirect_vreg.gather [hbm4b:s1+s3], $0x80, v3, vm0, $0xb8;
	[tilespmem:$0x10100] =	vst v63  }
0x68: {  	s20 =	simm.s32 $0xE900  }
0x69: {  	[tilespmem:s20], [sflag:$0x1] =	stream.indirect_vreg.gather [hbm4b:s5+s3], $0x80, v3, vm0, $0xb8;
	[tilespmem:$0x10100] =	vst v63  }
0x6a: {  	s21 =	simm.s32 $0xF100  }
0x6b: {  	[tilespmem:s21], [sflag:$0x1] =	stream.indirect_vreg.gather [hbm4b:s6+s3], $0x80, v3, vm0, $0xb8;
	[tilespmem:$0x10100] =	vst v63  }
0x6c: {  	s22 =	simm.s32 $0xF900  }
0x6d: {  	[tilespmem:s22], [sflag:$0x1] =	stream.indirect_vreg.gather [hbm4b:s7+s3], $0x80, v3, vm0, $0xb8;
	[tilespmem:$0x10100] =	vst v63  }
0x6e: {  	_ =	swait.ge [sflag:s26], $0x10000  }
0x6f: {  	[sflag:s26] =	ssyncset.done $0x0  }
0x70: {  	[sflag:s26] =	ssyncadd.s32 $0xFFFF0000  }
0x71: {  	v3 =	vld [tilespmem:$0x80];
	_ =	sdelay $0x4  }
0x72: {  	v52 =	vshll.u32 v3, $0x3  }
0x73: {  	v3 =	vand.u32 $0x7, v3;
	v4 =	vand.u32 $0xFFFFFFC0, v52  }
0x74: {  	v3 =	vor.u32 v3, v4  }
0x75: {  	v4 =	vperm.xlane v3, v0;
	_ =	sdelay $0x1  }
0x76: {  	v4 =	vadd.s32 v1, v4;
	_ =	sdelay $0x3  }
0x77: {  	s2 =	simm.s32 $0x100  }
0x78: {  	[hbm4b:s4+s3] =	stream.indirect_vreg.scatter [tilespmem:s2], [sflag:$0x1], $0x80, v4, vm0, $0xb8;
	[tilespmem:$0x10100] =	vst v63  }
0x79: {  	s13 =	simm.s32 $0x900;
	v3 =	vperm.xlane v3, v2  }
0x7a: {  	[hbm4b:s8+s3] =	stream.indirect_vreg.scatter [tilespmem:s13], [sflag:$0x1], $0x80, v4, vm0, $0xb8;
	[tilespmem:$0x10100] =	vst v63  }
0x7b: {  	s0 =	simm.s32 $0x1100;
	v3 =	vadd.s32 v1, v3  }
0x7c: {  	[hbm4b:s9+s3] =	stream.indirect_vreg.scatter [tilespmem:s0], [sflag:$0x1], $0x80, v4, vm0, $0xb8;
	[tilespmem:$0x10100] =	vst v63  }
0x7d: {  	s2 =	simm.s32 $0x1900  }
0x7e: {  	[hbm4b:s10+s3] =	stream.indirect_vreg.scatter [tilespmem:s2], [sflag:$0x1], $0x80, v4, vm0, $0xb8;
	[tilespmem:$0x10100] =	vst v63  }
0x7f: {  	s13 =	simm.s32 $0x2100  }
0x80: {  	[hbm4b:s4+s3] =	stream.indirect_vreg.scatter [tilespmem:s13], [sflag:$0x1], $0x80, v3, vm0, $0xb8;
	[tilespmem:$0x10100] =	vst v63  }
0x81: {  	s14 =	simm.s32 $0x2900  }
0x82: {  	[hbm4b:s8+s3] =	stream.indirect_vreg.scatter [tilespmem:s14], [sflag:$0x1], $0x80, v3, vm0, $0xb8;
	[tilespmem:$0x10100] =	vst v63  }
0x83: {  	s15 =	simm.s32 $0x3100  }
0x84: {  	[hbm4b:s9+s3] =	stream.indirect_vreg.scatter [tilespmem:s15], [sflag:$0x1], $0x80, v3, vm0, $0xb8;
	[tilespmem:$0x10100] =	vst v63  }
0x85: {  	s16 =	simm.s32 $0x3900  }
0x86: {  	[hbm4b:s10+s3] =	stream.indirect_vreg.scatter [tilespmem:s16], [sflag:$0x1], $0x80, v3, vm0, $0xb8;
	[tilespmem:$0x10100] =	vst v63  }
0x87: {  	v3 =	vld [tilespmem:$0x90];
	_ =	sdelay $0x4  }
0x88: {  	v53 =	vshll.u32 v3, $0x3  }
0x89: {  	v3 =	vand.u32 $0x7, v3;
	v4 =	vand.u32 $0xFFFFFFC0, v53  }
0x8a: {  	v3 =	vor.u32 v3, v4  }
0x8b: {  	v4 =	vperm.xlane v3, v0;
	_ =	sdelay $0x1  }
0x8c: {  	v4 =	vadd.s32 v1, v4;
	_ =	sdelay $0x3  }
0x8d: {  	s17 =	simm.s32 $0x4100  }
0x8e: {  	[hbm4b:s4+s3] =	stream.indirect_vreg.scatter [tilespmem:s17], [sflag:$0x1], $0x80, v4, vm0, $0xb8;
	[tilespmem:$0x10100] =	vst v63  }
0x8f: {  	s18 =	simm.s32 $0x4900;
	v3 =	vperm.xlane v3, v2  }
0x90: {  	[hbm4b:s8+s3] =	stream.indirect_vreg.scatter [tilespmem:s18], [sflag:$0x1], $0x80, v4, vm0, $0xb8;
	[tilespmem:$0x10100] =	vst v63  }
0x91: {  	s16 =	simm.s32 $0x5100;
	v3 =	vadd.s32 v1, v3  }
0x92: {  	[hbm4b:s9+s3] =	stream.indirect_vreg.scatter [tilespmem:s16], [sflag:$0x1], $0x80, v4, vm0, $0xb8;
	[tilespmem:$0x10100] =	vst v63  }
0x93: {  	s17 =	simm.s32 $0x5900  }
0x94: {  	[hbm4b:s10+s3] =	stream.indirect_vreg.scatter [tilespmem:s17], [sflag:$0x1], $0x80, v4, vm0, $0xb8;
	[tilespmem:$0x10100] =	vst v63  }
0x95: {  	s18 =	simm.s32 $0x6100  }
0x96: {  	[hbm4b:s4+s3] =	stream.indirect_vreg.scatter [tilespmem:s18], [sflag:$0x1], $0x80, v3, vm0, $0xb8;
	[tilespmem:$0x10100] =	vst v63  }
0x97: {  	s19 =	simm.s32 $0x6900  }
0x98: {  	[hbm4b:s8+s3] =	stream.indirect_vreg.scatter [tilespmem:s19], [sflag:$0x1], $0x80, v3, vm0, $0xb8;
	[tilespmem:$0x10100] =	vst v63  }
0x99: {  	s20 =	simm.s32 $0x7100  }
0x9a: {  	[hbm4b:s9+s3] =	stream.indirect_vreg.scatter [tilespmem:s20], [sflag:$0x1], $0x80, v3, vm0, $0xb8;
	[tilespmem:$0x10100] =	vst v63  }
0x9b: {  	s21 =	simm.s32 $0x7900  }
0x9c: {  	[hbm4b:s10+s3] =	stream.indirect_vreg.scatter [tilespmem:s21], [sflag:$0x1], $0x80, v3, vm0, $0xb8;
	[tilespmem:$0x10100] =	vst v63  }
0x9d: {  	v3 =	vld [tilespmem:$0xA0];
	_ =	sdelay $0x4  }
0x9e: {  	v54 =	vshll.u32 v3, $0x3  }
0x9f: {  	v3 =	vand.u32 $0x7, v3;
	v4 =	vand.u32 $0xFFFFFFC0, v54  }
0xa0: {  	v3 =	vor.u32 v3, v4  }
0xa1: {  	v4 =	vperm.xlane v3, v0;
	_ =	sdelay $0x1  }
0xa2: {  	v4 =	vadd.s32 v1, v4;
	_ =	sdelay $0x3  }
0xa3: {  	s22 =	simm.s32 $0x8100  }
0xa4: {  	[hbm4b:s4+s3] =	stream.indirect_vreg.scatter [tilespmem:s22], [sflag:$0x1], $0x80, v4, vm0, $0xb8;
	[tilespmem:$0x10100] =	vst v63  }
0xa5: {  	s29 =	simm.s32 $0x8900;
	v3 =	vperm.xlane v3, v2  }
0xa6: {  	[hbm4b:s8+s3] =	stream.indirect_vreg.scatter [tilespmem:s29], [sflag:$0x1], $0x80, v4, vm0, $0xb8;
	[tilespmem:$0x10100] =	vst v63  }
0xa7: {  	v3 =	vadd.s32 v1, v3;
	s29 =	simm.s32 $0x9100  }
0xa8: {  	[hbm4b:s9+s3] =	stream.indirect_vreg.scatter [tilespmem:s29], [sflag:$0x1], $0x80, v4, vm0, $0xb8;
	[tilespmem:$0x10100] =	vst v63  }
0xa9: {  	s29 =	simm.s32 $0x9900  }
0xaa: {  	[hbm4b:s10+s3] =	stream.indirect_vreg.scatter [tilespmem:s29], [sflag:$0x1], $0x80, v4, vm0, $0xb8;
	[tilespmem:$0x10100] =	vst v63  }
0xab: {  	s29 =	simm.s32 $0xA100  }
0xac: {  	[hbm4b:s4+s3] =	stream.indirect_vreg.scatter [tilespmem:s29], [sflag:$0x1], $0x80, v3, vm0, $0xb8;
	[tilespmem:$0x10100] =	vst v63  }
0xad: {  	s29 =	simm.s32 $0xA900  }
0xae: {  	[hbm4b:s8+s3] =	stream.indirect_vreg.scatter [tilespmem:s29], [sflag:$0x1], $0x80, v3, vm0, $0xb8;
	[tilespmem:$0x10100] =	vst v63  }
0xaf: {  	s29 =	simm.s32 $0xB100  }
0xb0: {  	[hbm4b:s9+s3] =	stream.indirect_vreg.scatter [tilespmem:s29], [sflag:$0x1], $0x80, v3, vm0, $0xb8;
	[tilespmem:$0x10100] =	vst v63  }
0xb1: {  	s24 =	simm.s32 $0xB900  }
0xb2: {  	[hbm4b:s10+s3] =	stream.indirect_vreg.scatter [tilespmem:s24], [sflag:$0x1], $0x80, v3, vm0, $0xb8;
	[tilespmem:$0x10100] =	vst v63  }
0xb3: {  	v3 =	vld [tilespmem:$0xB0];
	_ =	sdelay $0x4  }
0xb4: {  	v55 =	vshll.u32 v3, $0x3  }
0xb5: {  	v3 =	vand.u32 $0x7, v3;
	v4 =	vand.u32 $0xFFFFFFC0, v55  }
0xb6: {  	v3 =	vor.u32 v3, v4  }
0xb7: {  	v4 =	vperm.xlane v3, v0;
	_ =	sdelay $0x1  }
0xb8: {  	v4 =	vadd.s32 v1, v4;
	_ =	sdelay $0x3  }
0xb9: {  	s25 =	simm.s32 $0xC100  }
0xba: {  	[hbm4b:s4+s3] =	stream.indirect_vreg.scatter [tilespmem:s25], [sflag:$0x1], $0x80, v4, vm0, $0xb8;
	[tilespmem:$0x10100] =	vst v63  }
0xbb: {  	s23 =	simm.s32 $0xC900;
	v3 =	vperm.xlane v3, v2  }
0xbc: {  	[hbm4b:s8+s3] =	stream.indirect_vreg.scatter [tilespmem:s23], [sflag:$0x1], $0x80, v4, vm0, $0xb8;
	[tilespmem:$0x10100] =	vst v63  }
0xbd: {  	s29 =	simm.s32 $0xD100;
	v3 =	vadd.s32 v1, v3  }
0xbe: {  	[hbm4b:s9+s3] =	stream.indirect_vreg.scatter [tilespmem:s29], [sflag:$0x1], $0x80, v4, vm0, $0xb8;
	[tilespmem:$0x10100] =	vst v63  }
0xbf: {  	s30 =	simm.s32 $0xD900  }
0xc0: {  	[hbm4b:s10+s3] =	stream.indirect_vreg.scatter [tilespmem:s30], [sflag:$0x1], $0x80, v4, vm0, $0xb8;
	[tilespmem:$0x10100] =	vst v63  }
0xc1: {  	s31 =	simm.s32 $0xE100  }
0xc2: {  	[hbm4b:s4+s3] =	stream.indirect_vreg.scatter [tilespmem:s31], [sflag:$0x1], $0x80, v3, vm0, $0xb8;
	[tilespmem:$0x10100] =	vst v63  }
0xc3: {  	s30 =	simm.s32 $0xE900  }
0xc4: {  	[hbm4b:s8+s3] =	stream.indirect_vreg.scatter [tilespmem:s30], [sflag:$0x1], $0x80, v3, vm0, $0xb8;
	[tilespmem:$0x10100] =	vst v63  }
0xc5: {  	s31 =	simm.s32 $0xF100  }
0xc6: {  	[hbm4b:s9+s3] =	stream.indirect_vreg.scatter [tilespmem:s31], [sflag:$0x1], $0x80, v3, vm0, $0xb8;
	[tilespmem:$0x10100] =	vst v63  }
0xc7: {  	s28 =	simm.s32 $0xF900  }
0xc8: {  	[hbm4b:s10+s3] =	stream.indirect_vreg.scatter [tilespmem:s28], [sflag:$0x1], $0x80, v3, vm0, $0xb8;
	[tilespmem:$0x10100] =	vst v63  }
0xc9: {  	_ =	swait.ge [sflag:s26], $0x10000  }
0xca: {  	[sflag:s26] =	ssyncset.done $0x0  }
0xcb: {  	s24 =	rddreg [dreg:$0x5];
	[sflag:s26] =	ssyncadd.s32 $0xFFFF0000  }
0xcc: {  	[tilespmem:s3], [sflag:$0x2] =	stream.linear.gather [hbm4b:s24+s3], $0x40, $0x38;
	[tilespmem:$0x10100] =	vst v63  }
0xcd: {  	_ =	swait.ge [sflag:s12], $0x40  }
0xce: {  	[sflag:s12] =	ssyncset.done $0x0  }
0xcf: {  	s29 =	simm.s32 $0x80;
	s25 =	rddreg [dreg:$0x6];
	[sflag:s12] =	ssyncadd.s32 $0xFFFFFFC0  }
0xd0: {  	[tilespmem:s29], [sflag:$0x2] =	stream.linear.gather [hbm4b:s25+s3], $0x40, $0x38;
	[tilespmem:$0x10100] =	vst v63  }
0xd1: {  	_ =	swait.ge [sflag:s12], $0x40  }
0xd2: {  	[sflag:s12] =	ssyncset.done $0x0  }
0xd3: {  	[sflag:s12] =	ssyncadd.s32 $0xFFFFFFC0  }
0xd4: {  	v3 =	vld [tilespmem:$0x0];
	_ =	sdelay $0x4  }
0xd5: {  	v56 =	vshll.u32 v3, $0x3  }
0xd6: {  	v3 =	vand.u32 $0x7, v3;
	v4 =	vand.u32 $0xFFFFFFC0, v56  }
0xd7: {  	v3 =	vor.u32 v3, v4  }
0xd8: {  	v4 =	vperm.xlane v3, v0;
	_ =	sdelay $0x1  }
0xd9: {  	v4 =	vadd.s32 v1, v4;
	_ =	sdelay $0x3  }
0xda: {  	s30 =	simm.s32 $0x100  }
0xdb: {  	[tilespmem:s30], [sflag:$0x1] =	stream.indirect_vreg.gather [hbm4b:s1+s3], $0x80, v4, vm0, $0xb8;
	[tilespmem:$0x10100] =	vst v63  }
0xdc: {  	s31 =	simm.s32 $0x900;
	v3 =	vperm.xlane v3, v2  }
0xdd: {  	[tilespmem:s31], [sflag:$0x1] =	stream.indirect_vreg.gather [hbm4b:s5+s3], $0x80, v4, vm0, $0xb8;
	[tilespmem:$0x10100] =	vst v63  }
0xde: {  	v3 =	vadd.s32 v1, v3  }
0xdf: {  	[tilespmem:s0], [sflag:$0x1] =	stream.indirect_vreg.gather [hbm4b:s6+s3], $0x80, v4, vm0, $0xb8;
	[tilespmem:$0x10100] =	vst v63  }
0xe0: {  	_ = 	snop  }
0xe1: {  	[tilespmem:s2], [sflag:$0x1] =	stream.indirect_vreg.gather [hbm4b:s7+s3], $0x80, v4, vm0, $0xb8;
	[tilespmem:$0x10100] =	vst v63  }
0xe2: {  	_ = 	snop  }
0xe3: {  	[tilespmem:s13], [sflag:$0x1] =	stream.indirect_vreg.gather [hbm4b:s1+s3], $0x80, v3, vm0, $0xb8;
	[tilespmem:$0x10100] =	vst v63  }
0xe4: {  	_ = 	snop  }
0xe5: {  	[tilespmem:s14], [sflag:$0x1] =	stream.indirect_vreg.gather [hbm4b:s5+s3], $0x80, v3, vm0, $0xb8;
	[tilespmem:$0x10100] =	vst v63  }
0xe6: {  	_ = 	snop  }
0xe7: {  	[tilespmem:s15], [sflag:$0x1] =	stream.indirect_vreg.gather [hbm4b:s6+s3], $0x80, v3, vm0, $0xb8;
	[tilespmem:$0x10100] =	vst v63  }
0xe8: {  	s13 =	simm.s32 $0x3900  }
0xe9: {  	[tilespmem:s13], [sflag:$0x1] =	stream.indirect_vreg.gather [hbm4b:s7+s3], $0x80, v3, vm0, $0xb8;
	[tilespmem:$0x10100] =	vst v63  }
0xea: {  	v3 =	vld [tilespmem:$0x10];
	_ =	sdelay $0x4  }
0xeb: {  	v57 =	vshll.u32 v3, $0x3  }
0xec: {  	v3 =	vand.u32 $0x7, v3;
	v4 =	vand.u32 $0xFFFFFFC0, v57  }
0xed: {  	v3 =	vor.u32 v3, v4  }
0xee: {  	v4 =	vperm.xlane v3, v0;
	_ =	sdelay $0x1  }
0xef: {  	v4 =	vadd.s32 v1, v4;
	_ =	sdelay $0x3  }
0xf0: {  	s14 =	simm.s32 $0x4100  }
0xf1: {  	[tilespmem:s14], [sflag:$0x1] =	stream.indirect_vreg.gather [hbm4b:s1+s3], $0x80, v4, vm0, $0xb8;
	[tilespmem:$0x10100] =	vst v63  }
0xf2: {  	s15 =	simm.s32 $0x4900;
	v3 =	vperm.xlane v3, v2  }
0xf3: {  	[tilespmem:s15], [sflag:$0x1] =	stream.indirect_vreg.gather [hbm4b:s5+s3], $0x80, v4, vm0, $0xb8;
	[tilespmem:$0x10100] =	vst v63  }
0xf4: {  	v3 =	vadd.s32 v1, v3  }
0xf5: {  	[tilespmem:s16], [sflag:$0x1] =	stream.indirect_vreg.gather [hbm4b:s6+s3], $0x80, v4, vm0, $0xb8;
	[tilespmem:$0x10100] =	vst v63  }
0xf6: {  	_ = 	snop  }
0xf7: {  	[tilespmem:s17], [sflag:$0x1] =	stream.indirect_vreg.gather [hbm4b:s7+s3], $0x80, v4, vm0, $0xb8;
	[tilespmem:$0x10100] =	vst v63  }
0xf8: {  	_ = 	snop  }
0xf9: {  	[tilespmem:s18], [sflag:$0x1] =	stream.indirect_vreg.gather [hbm4b:s1+s3], $0x80, v3, vm0, $0xb8;
	[tilespmem:$0x10100] =	vst v63  }
0xfa: {  	_ = 	snop  }
0xfb: {  	[tilespmem:s19], [sflag:$0x1] =	stream.indirect_vreg.gather [hbm4b:s5+s3], $0x80, v3, vm0, $0xb8;
	[tilespmem:$0x10100] =	vst v63  }
0xfc: {  	_ = 	snop  }
0xfd: {  	[tilespmem:s20], [sflag:$0x1] =	stream.indirect_vreg.gather [hbm4b:s6+s3], $0x80, v3, vm0, $0xb8;
	[tilespmem:$0x10100] =	vst v63  }
0xfe: {  	_ = 	snop  }
0xff: {  	[tilespmem:s21], [sflag:$0x1] =	stream.indirect_vreg.gather [hbm4b:s7+s3], $0x80, v3, vm0, $0xb8;
	[tilespmem:$0x10100] =	vst v63  }
0x100: {  	v3 =	vld [tilespmem:$0x20];
	_ =	sdelay $0x4  }
0x101: {  	v58 =	vshll.u32 v3, $0x3  }
0x102: {  	v3 =	vand.u32 $0x7, v3;
	v4 =	vand.u32 $0xFFFFFFC0, v58  }
0x103: {  	v3 =	vor.u32 v3, v4  }
0x104: {  	v4 =	vperm.xlane v3, v0;
	_ =	sdelay $0x1  }
0x105: {  	v4 =	vadd.s32 v1, v4;
	_ =	sdelay $0x4  }
0x106: {  	[tilespmem:s22], [sflag:$0x1] =	stream.indirect_vreg.gather [hbm4b:s1+s3], $0x80, v4, vm0, $0xb8;
	[tilespmem:$0x10100] =	vst v63  }
0x107: {  	s19 =	simm.s32 $0x8900;
	v3 =	vperm.xlane v3, v2  }
0x108: {  	[tilespmem:s19], [sflag:$0x1] =	stream.indirect_vreg.gather [hbm4b:s5+s3], $0x80, v4, vm0, $0xb8;
	[tilespmem:$0x10100] =	vst v63  }
0x109: {  	s28 =	simm.s32 $0x9100;
	v3 =	vadd.s32 v1, v3  }
0x10a: {  	[tilespmem:s28], [sflag:$0x1] =	stream.indirect_vreg.gather [hbm4b:s6+s3], $0x80, v4, vm0, $0xb8;
	[tilespmem:$0x10100] =	vst v63  }
0x10b: {  	s20 =	simm.s32 $0x9900  }
0x10c: {  	[tilespmem:s20], [sflag:$0x1] =	stream.indirect_vreg.gather [hbm4b:s7+s3], $0x80, v4, vm0, $0xb8;
	[tilespmem:$0x10100] =	vst v63  }
0x10d: {  	s21 =	simm.s32 $0xA100  }
0x10e: {  	[tilespmem:s21], [sflag:$0x1] =	stream.indirect_vreg.gather [hbm4b:s1+s3], $0x80, v3, vm0, $0xb8;
	[tilespmem:$0x10100] =	vst v63  }
0x10f: {  	s0 =	simm.s32 $0xA900  }
0x110: {  	[tilespmem:s0], [sflag:$0x1] =	stream.indirect_vreg.gather [hbm4b:s5+s3], $0x80, v3, vm0, $0xb8;
	[tilespmem:$0x10100] =	vst v63  }
0x111: {  	s2 =	simm.s32 $0xB100  }
0x112: {  	[tilespmem:s2], [sflag:$0x1] =	stream.indirect_vreg.gather [hbm4b:s6+s3], $0x80, v3, vm0, $0xb8;
	[tilespmem:$0x10100] =	vst v63  }
0x113: {  	s18 =	simm.s32 $0xB900  }
0x114: {  	[tilespmem:s18], [sflag:$0x1] =	stream.indirect_vreg.gather [hbm4b:s7+s3], $0x80, v3, vm0, $0xb8;
	[tilespmem:$0x10100] =	vst v63  }
0x115: {  	v3 =	vld [tilespmem:$0x30];
	_ =	sdelay $0x4  }
0x116: {  	v59 =	vshll.u32 v3, $0x3  }
0x117: {  	v3 =	vand.u32 $0x7, v3;
	v4 =	vand.u32 $0xFFFFFFC0, v59  }
0x118: {  	v3 =	vor.u32 v3, v4  }
0x119: {  	v4 =	vperm.xlane v3, v0;
	_ =	sdelay $0x1  }
0x11a: {  	v4 =	vadd.s32 v1, v4;
	_ =	sdelay $0x3  }
0x11b: {  	s19 =	simm.s32 $0xC100  }
0x11c: {  	[tilespmem:s19], [sflag:$0x1] =	stream.indirect_vreg.gather [hbm4b:s1+s3], $0x80, v4, vm0, $0xb8;
	[tilespmem:$0x10100] =	vst v63  }
0x11d: {  	s20 =	simm.s32 $0xC900;
	v3 =	vperm.xlane v3, v2  }
0x11e: {  	[tilespmem:s20], [sflag:$0x1] =	stream.indirect_vreg.gather [hbm4b:s5+s3], $0x80, v4, vm0, $0xb8;
	[tilespmem:$0x10100] =	vst v63  }
0x11f: {  	s13 =	simm.s32 $0xD100;
	v3 =	vadd.s32 v1, v3  }
0x120: {  	[tilespmem:s13], [sflag:$0x1] =	stream.indirect_vreg.gather [hbm4b:s6+s3], $0x80, v4, vm0, $0xb8;
	[tilespmem:$0x10100] =	vst v63  }
0x121: {  	s14 =	simm.s32 $0xD900  }
0x122: {  	[tilespmem:s14], [sflag:$0x1] =	stream.indirect_vreg.gather [hbm4b:s7+s3], $0x80, v4, vm0, $0xb8;
	[tilespmem:$0x10100] =	vst v63  }
0x123: {  	s15 =	simm.s32 $0xE100  }
0x124: {  	[tilespmem:s15], [sflag:$0x1] =	stream.indirect_vreg.gather [hbm4b:s1+s3], $0x80, v3, vm0, $0xb8;
	[tilespmem:$0x10100] =	vst v63  }
0x125: {  	s16 =	simm.s32 $0xE900  }
0x126: {  	[tilespmem:s16], [sflag:$0x1] =	stream.indirect_vreg.gather [hbm4b:s5+s3], $0x80, v3, vm0, $0xb8;
	[tilespmem:$0x10100] =	vst v63  }
0x127: {  	s17 =	simm.s32 $0xF100  }
0x128: {  	[tilespmem:s17], [sflag:$0x1] =	stream.indirect_vreg.gather [hbm4b:s6+s3], $0x80, v3, vm0, $0xb8;
	[tilespmem:$0x10100] =	vst v63  }
0x129: {  	s21 =	simm.s32 $0xF900  }
0x12a: {  	[tilespmem:s21], [sflag:$0x1] =	stream.indirect_vreg.gather [hbm4b:s7+s3], $0x80, v3, vm0, $0xb8;
	[tilespmem:$0x10100] =	vst v63  }
0x12b: {  	_ =	swait.ge [sflag:s26], $0x10000  }
0x12c: {  	[sflag:s26] =	ssyncset.done $0x0  }
0x12d: {  	[sflag:s26] =	ssyncadd.s32 $0xFFFF0000  }
0x12e: {  	v3 =	vld [tilespmem:$0x80];
	_ =	sdelay $0x4  }
0x12f: {  	v60 =	vshll.u32 v3, $0x3  }
0x130: {  	v3 =	vand.u32 $0x7, v3;
	v4 =	vand.u32 $0xFFFFFFC0, v60  }
0x131: {  	v3 =	vor.u32 v3, v4  }
0x132: {  	v4 =	vperm.xlane v3, v0;
	_ =	sdelay $0x1  }
0x133: {  	v4 =	vadd.s32 v1, v4;
	_ =	sdelay $0x3  }
0x134: {  	s22 =	simm.s32 $0x100  }
0x135: {  	[hbm4b:s4+s3] =	stream.indirect_vreg.scatter [tilespmem:s22], [sflag:$0x1], $0x80, v4, vm0, $0xb8;
	[tilespmem:$0x10100] =	vst v63  }
0x136: {  	v3 =	vperm.xlane v3, v2;
	s22 =	simm.s32 $0x900  }
0x137: {  	[hbm4b:s8+s3] =	stream.indirect_vreg.scatter [tilespmem:s22], [sflag:$0x1], $0x80, v4, vm0, $0xb8;
	[tilespmem:$0x10100] =	vst v63  }
0x138: {  	s24 =	simm.s32 $0x1100;
	v3 =	vadd.s32 v1, v3  }
0x139: {  	[hbm4b:s9+s3] =	stream.indirect_vreg.scatter [tilespmem:s24], [sflag:$0x1], $0x80, v4, vm0, $0xb8;
	[tilespmem:$0x10100] =	vst v63  }
0x13a: {  	s25 =	simm.s32 $0x1900  }
0x13b: {  	[hbm4b:s10+s3] =	stream.indirect_vreg.scatter [tilespmem:s25], [sflag:$0x1], $0x80, v4, vm0, $0xb8;
	[tilespmem:$0x10100] =	vst v63  }
0x13c: {  	s30 =	simm.s32 $0x2100  }
0x13d: {  	[hbm4b:s4+s3] =	stream.indirect_vreg.scatter [tilespmem:s30], [sflag:$0x1], $0x80, v3, vm0, $0xb8;
	[tilespmem:$0x10100] =	vst v63  }
0x13e: {  	s31 =	simm.s32 $0x2900  }
0x13f: {  	[hbm4b:s8+s3] =	stream.indirect_vreg.scatter [tilespmem:s31], [sflag:$0x1], $0x80, v3, vm0, $0xb8;
	[tilespmem:$0x10100] =	vst v63  }
0x140: {  	s22 =	simm.s32 $0x3100  }
0x141: {  	[hbm4b:s9+s3] =	stream.indirect_vreg.scatter [tilespmem:s22], [sflag:$0x1], $0x80, v3, vm0, $0xb8;
	[tilespmem:$0x10100] =	vst v63  }
0x142: {  	s25 =	simm.s32 $0x3900  }
0x143: {  	[hbm4b:s10+s3] =	stream.indirect_vreg.scatter [tilespmem:s25], [sflag:$0x1], $0x80, v3, vm0, $0xb8;
	[tilespmem:$0x10100] =	vst v63  }
0x144: {  	v3 =	vld [tilespmem:$0x90];
	_ =	sdelay $0x4  }
0x145: {  	v61 =	vshll.u32 v3, $0x3  }
0x146: {  	v3 =	vand.u32 $0x7, v3;
	v4 =	vand.u32 $0xFFFFFFC0, v61  }
0x147: {  	v3 =	vor.u32 v3, v4  }
0x148: {  	v4 =	vperm.xlane v3, v0;
	_ =	sdelay $0x1  }
0x149: {  	v4 =	vadd.s32 v1, v4;
	_ =	sdelay $0x3  }
0x14a: {  	s30 =	simm.s32 $0x4100  }
0x14b: {  	[hbm4b:s4+s3] =	stream.indirect_vreg.scatter [tilespmem:s30], [sflag:$0x1], $0x80, v4, vm0, $0xb8;
	[tilespmem:$0x10100] =	vst v63  }
0x14c: {  	s31 =	simm.s32 $0x4900;
	v3 =	vperm.xlane v3, v2  }
0x14d: {  	[hbm4b:s8+s3] =	stream.indirect_vreg.scatter [tilespmem:s31], [sflag:$0x1], $0x80, v4, vm0, $0xb8;
	[tilespmem:$0x10100] =	vst v63  }
0x14e: {  	s22 =	simm.s32 $0x5100;
	v3 =	vadd.s32 v1, v3  }
0x14f: {  	[hbm4b:s9+s3] =	stream.indirect_vreg.scatter [tilespmem:s22], [sflag:$0x1], $0x80, v4, vm0, $0xb8;
	[tilespmem:$0x10100] =	vst v63  }
0x150: {  	s25 =	simm.s32 $0x5900  }
0x151: {  	[hbm4b:s10+s3] =	stream.indirect_vreg.scatter [tilespmem:s25], [sflag:$0x1], $0x80, v4, vm0, $0xb8;
	[tilespmem:$0x10100] =	vst v63  }
0x152: {  	s30 =	simm.s32 $0x6100  }
0x153: {  	[hbm4b:s4+s3] =	stream.indirect_vreg.scatter [tilespmem:s30], [sflag:$0x1], $0x80, v3, vm0, $0xb8;
	[tilespmem:$0x10100] =	vst v63  }
0x154: {  	s31 =	simm.s32 $0x6900  }
0x155: {  	[hbm4b:s8+s3] =	stream.indirect_vreg.scatter [tilespmem:s31], [sflag:$0x1], $0x80, v3, vm0, $0xb8;
	[tilespmem:$0x10100] =	vst v63  }
0x156: {  	s22 =	simm.s32 $0x7100  }
0x157: {  	[hbm4b:s9+s3] =	stream.indirect_vreg.scatter [tilespmem:s22], [sflag:$0x1], $0x80, v3, vm0, $0xb8;
	[tilespmem:$0x10100] =	vst v63  }
0x158: {  	s25 =	simm.s32 $0x7900  }
0x159: {  	[hbm4b:s10+s3] =	stream.indirect_vreg.scatter [tilespmem:s25], [sflag:$0x1], $0x80, v3, vm0, $0xb8;
	[tilespmem:$0x10100] =	vst v63  }
0x15a: {  	v3 =	vld [tilespmem:$0xA0];
	_ =	sdelay $0x4  }
0x15b: {  	v62 =	vshll.u32 v3, $0x3  }
0x15c: {  	v3 =	vand.u32 $0x7, v3;
	v4 =	vand.u32 $0xFFFFFFC0, v62  }
0x15d: {  	v3 =	vor.u32 v3, v4  }
0x15e: {  	v4 =	vperm.xlane v3, v0;
	_ =	sdelay $0x1  }
0x15f: {  	v4 =	vadd.s32 v1, v4;
	_ =	sdelay $0x3  }
0x160: {  	s30 =	simm.s32 $0x8100  }
0x161: {  	[hbm4b:s4+s3] =	stream.indirect_vreg.scatter [tilespmem:s30], [sflag:$0x1], $0x80, v4, vm0, $0xb8;
	[tilespmem:$0x10100] =	vst v63  }
0x162: {  	s31 =	simm.s32 $0x8900;
	v3 =	vperm.xlane v3, v2  }
0x163: {  	[hbm4b:s8+s3] =	stream.indirect_vreg.scatter [tilespmem:s31], [sflag:$0x1], $0x80, v4, vm0, $0xb8;
	[tilespmem:$0x10100] =	vst v63  }
0x164: {  	v3 =	vadd.s32 v1, v3  }
0x165: {  	[hbm4b:s9+s3] =	stream.indirect_vreg.scatter [tilespmem:s28], [sflag:$0x1], $0x80, v4, vm0, $0xb8;
	[tilespmem:$0x10100] =	vst v63  }
0x166: {  	s29 =	simm.s32 $0x9900  }
0x167: {  	[hbm4b:s10+s3] =	stream.indirect_vreg.scatter [tilespmem:s29], [sflag:$0x1], $0x80, v4, vm0, $0xb8;
	[tilespmem:$0x10100] =	vst v63  }
0x168: {  	s23 =	simm.s32 $0xA100  }
0x169: {  	[hbm4b:s4+s3] =	stream.indirect_vreg.scatter [tilespmem:s23], [sflag:$0x1], $0x80, v3, vm0, $0xb8;
	[tilespmem:$0x10100] =	vst v63  }
0x16a: {  	_ = 	snop  }
0x16b: {  	[hbm4b:s8+s3] =	stream.indirect_vreg.scatter [tilespmem:s0], [sflag:$0x1], $0x80, v3, vm0, $0xb8;
	[tilespmem:$0x10100] =	vst v63  }
0x16c: {  	_ = 	snop  }
0x16d: {  	[hbm4b:s9+s3] =	stream.indirect_vreg.scatter [tilespmem:s2], [sflag:$0x1], $0x80, v3, vm0, $0xb8;
	[tilespmem:$0x10100] =	vst v63  }
0x16e: {  	_ = 	snop  }
0x16f: {  	[hbm4b:s10+s3] =	stream.indirect_vreg.scatter [tilespmem:s18], [sflag:$0x1], $0x80, v3, vm0, $0xb8;
	[tilespmem:$0x10100] =	vst v63  }
0x170: {  	v3 =	vld [tilespmem:$0xB0];
	_ =	sdelay $0x4  }
0x171: {  	v63 =	vshll.u32 v3, $0x3  }
0x172: {  	v3 =	vand.u32 $0x7, v3;
	v4 =	vand.u32 $0xFFFFFFC0, v63  }
0x173: {  	v3 =	vor.u32 v3, v4  }
0x174: {  	v4 =	vperm.xlane v3, v0;
	_ =	sdelay $0x1  }
0x175: {  	v4 =	vadd.s32 v1, v4;
	_ =	sdelay $0x4  }
0x176: {  	[hbm4b:s4+s3] =	stream.indirect_vreg.scatter [tilespmem:s19], [sflag:$0x1], $0x80, v4, vm0, $0xb8;
	[tilespmem:$0x10100] =	vst v63  }
0x177: {  	v3 =	vperm.xlane v3, v2  }
0x178: {  	[hbm4b:s8+s3] =	stream.indirect_vreg.scatter [tilespmem:s20], [sflag:$0x1], $0x80, v4, vm0, $0xb8;
	[tilespmem:$0x10100] =	vst v63  }
0x179: {  	v3 =	vadd.s32 v1, v3  }
0x17a: {  	[hbm4b:s9+s3] =	stream.indirect_vreg.scatter [tilespmem:s13], [sflag:$0x1], $0x80, v4, vm0, $0xb8;
	[tilespmem:$0x10100] =	vst v63  }
0x17b: {  	_ = 	snop  }
0x17c: {  	[hbm4b:s10+s3] =	stream.indirect_vreg.scatter [tilespmem:s14], [sflag:$0x1], $0x80, v4, vm0, $0xb8;
	[tilespmem:$0x10100] =	vst v63  }
0x17d: {  	_ = 	snop  }
0x17e: {  	[hbm4b:s4+s3] =	stream.indirect_vreg.scatter [tilespmem:s15], [sflag:$0x1], $0x80, v3, vm0, $0xb8;
	[tilespmem:$0x10100] =	vst v63  }
0x17f: {  	_ = 	snop  }
0x180: {  	[hbm4b:s8+s3] =	stream.indirect_vreg.scatter [tilespmem:s16], [sflag:$0x1], $0x80, v3, vm0, $0xb8;
	[tilespmem:$0x10100] =	vst v63  }
0x181: {  	p0 =	sne.s32 s11, $0x1  }
0x182: {  	[hbm4b:s9+s3] =	stream.indirect_vreg.scatter [tilespmem:s17], [sflag:$0x1], $0x80, v3, vm0, $0xb8;
	[tilespmem:$0x10100] =	vst v63  }
.Ltmp0:
0x183: {  	_ = 	snop;
	(pc) =	sbr.rel @p0 .LBB2_1-.Ltmp0, $4  }
0x184: {  	[hbm4b:s10+s3] =	stream.indirect_vreg.scatter [tilespmem:s21], [sflag:$0x1], $0x80, v3, vm0, $0xb8;
	[tilespmem:$0x10100] =	vst v63  }
0x185: {  	_ =	swait.ge [sflag:s26], $0x10000  }
0x186: {  	[sflag:s26] =	ssyncset.done $0x0  }
0x187: {  	s11 =	sadd.s32 $0xFFFFFFFF, s11;
	[sflag:s26] =	ssyncadd.s32 $0xFFFF0000  }
0x188: {  	_ =	sfence.sel $0x180000  }
0x189: {  	[bflag:$0x0] =	sbarrier.arrive $0xFFFF  }
0x18a: {  	_ =	strace $0x9000004A  }
0x18b: {  	s0 =	stileid.u32;
	[bflag:$0x2] =	sbarrier.arrive $0xFFFF  }
0x18c: {  	p0 =	sne.s32 s0, $0x0;
	s0 =	rddreg [dreg:$0x2]  }
0x18d: {  	s0 =	sadd.s32 @!p0 $0x100000, s0  }
0x18e: {  	[sflag:s0] =	ssyncadd.tile.s32 @!p0 $0x1;
	_ =	shalt  }
.Lfunc_end2:
_tile_overlayer_lowered:
.L_overlay_start_2:
0x18f: {  	(tag) =	ssettag $0x2  }
0x190: {  	s0 =	rddreg [dreg:$0x0];
	s2 =	stileid.u32  }
0x191: {  	s1 =	rddreg [dreg:$0x1];
	p0 =	sne.s32 s2, $0x0  }
0x192: {  	s3 =	rddreg [dreg:$0x2];
	[bflag:$0x3] =	sbarrier.arrive $0xFFFF;
	s2 =	simm.s32 @!p0 $0x1C02  }
0x193: {  	[timem:s3], [sflag:s2] =	dma.local @!p0 [hbm:s0], s1  }
0x194: {  	s0 =	simm.s32 @!p0 $0x2  }
0x195: {  	_ =	swait.ge @!p0 [sflag:s0], s1  }
0x196: {  	s1 =	ssub.s32 @!p0 $0x0, s1;
	[sflag:s0] =	ssyncset.done @!p0 $0x0  }
0x197: {  	[sflag:s0] =	ssyncadd.s32 @!p0 s1  }
0x198: {  	[bflag:$0x3] =	sbarrier.arrive $0xFFFF  }
0x199: {  	_ =	shalt  }

// kernel: scatter_offload_async_start
scs
__scs_entry_jumppad:
0x0: {  	(pc) =	sbr.rel $0x88, $3  }
0x1: {  	(tag) =	ssettag $0x0;
	lr =	simm.s32 $0x1  }
0x2: {  	[smem:$0x3F9A] =	sst lr;
	_ =	strace $0xD0000000  }
0x3: {  	_ = 	snop  }
0x4: {  	_ = 	snop  }
0x5: {  	_ = 	snop  }
0x6: {  	_ = 	snop  }
0x7: {  	_ = 	snop  }
__scs_overlays_trampoline_lowered:
0x8: {  	[smem:$0x3FA9] =	sst s0  }
0x9: {  	[smem:$0x3FAA] =	sst s1  }
0xa: {  	[smem:$0x3FAB] =	sst s2  }
0xb: {  	[smem:$0x3FAC] =	sst s3  }
0xc: {  	[smem:$0x3FAD] =	sst s4  }
0xd: {  	[smem:$0x3FAE] =	sst s5  }
0xe: {  	[smem:$0x3FAF] =	sst s6  }
0xf: {  	[smem:$0x3FB0] =	sst s7  }
0x10: {  	[smem:$0x3FB1] =	sst s8  }
0x11: {  	[smem:$0x3FB2] =	sst s9;
	s0 =	simm.s32 @!p0 $0x0  }
0x12: {  	s1 =	sld [smem:$0x3F98];
	s0 =	simm.s32 @p0 $0x1  }
0x13: {  	[smem:$0x3FB3] =	sst s0;
	s0 =	simm.s32 @!p1 $0x0  }
0x14: {  	s2 =	sld [smem:$0x3F97];
	s0 =	simm.s32 @p1 $0x1  }
0x15: {  	[smem:$0x3FB4] =	sst s0;
	s0 =	simm.s32 @!p2 $0x0  }
0x16: {  	s3 =	sld [smem:$0x3FDB];
	s0 =	simm.s32 @p2 $0x1  }
0x17: {  	s4 =	simm.s32 $0x1BF5;
	[smem:$0x3FB6] =	sst s0  }
0x18: {  	s0 =	sld [smem:$0x3F99];
	_ =	swait.ge [sflag:s4], $0x0  }
0x19: {  	s7 =	sld [smem:$0x3F9A]  }
0x1a: {  	s8 =	sadd.s32 $0xFFFFE003, lr  }
0x1b: {  	s9 =	sadd.s32 $0xFFFFFEF7, lr;
	s5 =	simm.s32 $0xFFFFFFFF;
	p2 =	slt.u32 s8, $0xFFFFF086  }
0x1c: {  	p1 =	slt.u32 s9, $0xF7A;
	s5 =	simm.s32 @!p2 $0x0  }
0x1d: {  	s5 =	simm.s32 @p1 $0x1;
	p0 =	seq.s32 s7, s2  }
0x1e: {  	s7 =	smul.u32 @!p0 $0xF7A, s2;
	p2 =	seq.s32 @!p0 s5, $0x0  }
0x1f: {  	s9 =	smul.u32 $0xF7A, s1;
	s8 =	simm.s32 @!p0 $0x1BF5;
	p2 =	por !p2, p0  }
0x20: {  	[sflag:s8] =	ssyncset.s32 @!p0 $0xFFFFF086;
	s6 =	sadd.s32 @!p0 s3, s7;
	s7 =	simm.s32 @!p0 $0x108  }
0x21: {  	s3 =	sadd.s32 s3, s9;
	s6 =	sadd.s32 @!p0 $0x88, s6;
	s7 =	simm.s32 @p2 $0x1082  }
0x22: {  	[simem:s7], [sflag:s8] =	dma.local @!p0 [hbm:s6], $0xF7A  }
0x23: {  	s9 =	sor.u32 $0xD0000000, s2;
	s6 =	simm.s32 $0x108;
	_ =	swait.ge @!p0 [sflag:s8], $0x0  }
0x24: {  	s3 =	sadd.s32 $0x88, s3;
	s6 =	simm.s32 @!p1 $0x1082;
	[sflag:s4] =	ssyncset.s32 $0xFFFFF086  }
0x25: {  	[simem:s6], [sflag:s4] =	dma.local [hbm:s3], $0xF7A  }
0x26: {  	[smem:$0x3F9A] =	sst s1;
	(tag) =	ssettag s2;
	_ =	strace s9  }
0x27: {  	s1 =	sld [smem:$0x3FAA]  }
0x28: {  	s2 =	sld [smem:$0x3FAB]  }
0x29: {  	s4 =	sld [smem:$0x3FAD]  }
0x2a: {  	p0 =	seq.s32 s5, $0x0;
	s5 =	sld [smem:$0x3FAE]  }
0x2b: {  	s6 =	sld [smem:$0x3FAF]  }
0x2c: {  	s7 =	sld [smem:$0x3FB0]  }
0x2d: {  	s3 =	simm.s32 $0x108;
	s8 =	sld [smem:$0x3FB1]  }
0x2e: {  	s3 =	simm.s32 @!p0 $0x1082;
	s9 =	sld [smem:$0x3FB2]  }
0x2f: {  	lr =	sadd.s32 s0, s3;
	s0 =	sld [smem:$0x3FA9]  }
0x30: {  	s3 =	sld [smem:$0x3FAC]  }
0x31: {  	[smem:$0x3FB5] =	sst s10  }
0x32: {  	s10 =	sld [smem:$0x3FB3];
	_ =	sdelay $0x3  }
0x33: {  	p0 =	seq.s32 s10, $0x1;
	s10 =	sld [smem:$0x3FB5];
	_ =	sdelay $0x3  }
0x34: {  	[smem:$0x3FB5] =	sst s10  }
0x35: {  	s10 =	sld [smem:$0x3FB4];
	_ =	sdelay $0x3  }
0x36: {  	p1 =	seq.s32 s10, $0x1;
	s10 =	sld [smem:$0x3FB5];
	_ =	sdelay $0x3  }
0x37: {  	[smem:$0x3FB5] =	sst s10  }
0x38: {  	s10 =	sld [smem:$0x3FB6]  }
0x39: {  	_ = 	snop;
	(pc) =	sbr.ind lr, $3  }
0x3a: {  	_ = 	snop  }
0x3b: {  	_ = 	snop  }
0x3c: {  	p2 =	seq.s32 s10, $0x1;
	s10 =	sld [smem:$0x3FB5]  }
0x3d: {  	_ =	shalt  }
0x3e: {  	_ =	shalt  }
0x3f: {  	_ =	shalt  }
0x40: {  	_ =	shalt  }
0x41: {  	_ =	shalt  }
0x42: {  	_ =	shalt  }
0x43: {  	_ =	shalt  }
0x44: {  	_ =	shalt  }
0x45: {  	_ =	shalt  }
0x46: {  	_ =	shalt  }
0x47: {  	_ =	shalt  }
0x48: {  	_ =	shalt  }
0x49: {  	_ =	shalt  }
0x4a: {  	_ =	shalt  }
0x4b: {  	_ =	shalt  }
0x4c: {  	_ =	shalt  }
0x4d: {  	_ =	shalt  }
0x4e: {  	_ =	shalt  }
0x4f: {  	_ =	shalt  }
0x50: {  	_ =	shalt  }
0x51: {  	_ =	shalt  }
0x52: {  	_ =	shalt  }
0x53: {  	_ =	shalt  }
0x54: {  	_ =	shalt  }
0x55: {  	_ =	shalt  }
0x56: {  	_ =	shalt  }
0x57: {  	_ =	shalt  }
0x58: {  	_ =	shalt  }
0x59: {  	_ =	shalt  }
0x5a: {  	_ =	shalt  }
0x5b: {  	_ =	shalt  }
0x5c: {  	_ =	shalt  }
0x5d: {  	_ =	shalt  }
0x5e: {  	_ =	shalt  }
0x5f: {  	_ =	shalt  }
0x60: {  	_ =	shalt  }
0x61: {  	_ =	shalt  }
0x62: {  	_ =	shalt  }
0x63: {  	_ =	shalt  }
0x64: {  	_ =	shalt  }
0x65: {  	_ =	shalt  }
0x66: {  	_ =	shalt  }
0x67: {  	_ =	shalt  }
0x68: {  	_ =	shalt  }
0x69: {  	_ =	shalt  }
0x6a: {  	_ =	shalt  }
0x6b: {  	_ =	shalt  }
0x6c: {  	_ =	shalt  }
0x6d: {  	_ =	shalt  }
0x6e: {  	_ =	shalt  }
0x6f: {  	_ =	shalt  }
0x70: {  	_ =	shalt  }
0x71: {  	_ =	shalt  }
0x72: {  	_ =	shalt  }
0x73: {  	_ =	shalt  }
0x74: {  	_ =	shalt  }
0x75: {  	_ =	shalt  }
0x76: {  	_ =	shalt  }
0x77: {  	_ =	shalt  }
0x78: {  	_ =	shalt  }
0x79: {  	_ =	shalt  }
0x7a: {  	_ =	shalt  }
0x7b: {  	_ =	shalt  }
0x7c: {  	_ =	shalt  }
0x7d: {  	_ =	shalt  }
0x7e: {  	_ =	shalt  }
0x7f: {  	_ =	shalt  }
0x80: {  	_ =	shalt  }
0x81: {  	_ =	shalt  }
0x82: {  	_ =	shalt  }
0x83: {  	_ =	shalt  }
0x84: {  	_ =	shalt  }
0x85: {  	_ =	shalt  }
0x86: {  	_ =	shalt  }
0x87: {  	_ =	shalt  }
.Lfunc_end0:
.L_simem_size_0:
called_computation_lowered:
.L_overlay_start_0:
0x88: {  	s0 =	sld [smem:$0x3FD9]  }
0x89: {  	s1 =	sld [smem:$0x3FFE];
	_ =	sdelay $0x3  }
0x8a: {  	s0 =	sadd.s32 s1, s0  }
0x8b: {  	[smem:$0x3FC1] =	sst s0  }
0x8c: {  	_ = 	snop  }
0x8d: {  	(tm) =	ssettm $0x1  }
0x8e: {  	s15 =	sld [smem:$0x3FFB];
	_ =	sdelay $0x3  }
0x8f: {  	_ =	strace s15  }
0x90: {  	s0 =	sld [smem:$0x3FFC];
	_ =	sdelay $0x3  }
0x91: {  	_ =	strace s0  }
0x92: {  	s0 =	sld [smem:$0x3FFD];
	_ =	sdelay $0x3  }
0x93: {  	_ =	strace s0  }
0x94: {  	_ =	strace $0x8FFFFFFF  }
0x95: {  	s16 =	sld [smem:$0x3FDB];
	_ =	sdelay $0x1  }
0x96: {  	s17 =	simm.s32 $_scs_section_size  }
0x97: {  	s2 =	simm.s32 $_size__tile_overlayer_lowered;
	s3 =	simm.s32 $_tile_overlayer_lowered  }
0x98: {  	s20 =	simm.s32 $0x1BFF;
	s19 =	sshll.u32 s3, $0x1;
	s0 =	sadd.s32 s17, s16  }
0x99: {  	s4 =	simm.s32 $0x0;
	s18 =	sshll.u32 s2, $0x1;
	s2 =	sadd.s32 s19, s0  }
0x9a: {  	[timem:s4], [sflag:s20] =	dma.local [hbm:s2], s18  }
0x9b: {  	_ =	swait.ge [sflag:s20], s18  }
0x9c: {  	s1 =	ssub.s32 $0x0, s18;
	[sflag:s20] =	ssyncset.done $0x0  }
0x9d: {  	[sflag:s20] =	ssyncadd.s32 s1;
	_ =	sdelay $0x1  }
0x9e: {  	s21 =	simm.s32 $0x1B8B  }
0x9f: {  	_ =	swait.ge [sflag:s21], $0x1  }
0xa0: {  	[sflag:s21] =	ssyncset.done $0x0  }
0xa1: {  	s23 =	simm.s32 $0x1B8E;
	s22 =	sld [smem:$0x3FFE];
	[sflag:s21] =	ssyncadd.s32 $0xFFFFFFFF  }
0xa2: {  	s24 =	simm.s32 $execute0_lowered;
	[smem:$0x3FD2] =	sst s23  }
0xa3: {  	s2 =	sshll.u32 s24, $0x1;
	_ =	strace $0x80000046;
	[dreg:$0x1] =	wrdreg $0xFFFFFFFF  }
0xa4: {  	s25 =	simm.s32 $_size_execute0_lowered;
	s0 =	sadd.s32 s0, s2;
	[dreg:$0x0] =	wrdreg $0x0  }
0xa5: {  	s2 =	sshll.u32 s25, $0x1;
	[dreg:$0x2] =	wrdreg s0  }
0xa6: {  	[dreg:$0x3] =	wrdreg s2  }
0xa7: {  	[dreg:$0x4] =	wrdreg $0xC0  }
0xa8: {  	_ =	task [dreg:s4], $0x5FFFF  }
0xa9: {  	[dreg:$0x1] =	wrdreg $0xFFFFFFFF  }
0xaa: {  	[dreg:$0x0] =	wrdreg $0x60  }
0xab: {  	[dreg:$0x2] =	wrdreg s22  }
0xac: {  	[dreg:$0x3] =	wrdreg $0x9  }
0xad: {  	_ =	task.clear_ibuf [dreg:s4], $0x4FFFF;
	_ =	strace $0x90000046  }
0xae: {  	s26 =	simm.s32 $0x9;
	_ =	strace $0x80000048  }
0xaf: {  	_ =	swait.ge [sflag:s26], $0x1  }
0xb0: {  	[sflag:s26] =	ssyncadd.s32 $0xFFFFFFFF  }
0xb1: {  	_ =	strace $0x90000048  }
0xb2: {  	_ =	sfence  }
0xb3: {  	s28 =	sld [smem:$0x0];
	_ =	sdelay $0x1  }
0xb4: {  	s29 =	srdreg.scid  }
0xb5: {  	s30 =	sshll.u32 s29, $0xD;
	s31 =	sshrl.u32 s29, $0x2  }
0xb6: {  	s1 =	sand.u32 $0x1, s29;
	s2 =	sand.u32 $0x4000, s30;
	s0 =	sadd.s32 s31, s28  }
0xb7: {  	s1 =	sor.u32 s2, s1;
	s0 =	sshll.u32 s0, $0x11  }
0xb8: {  	s0 =	sor.u32 s0, s1  }
0xb9: {  	s0 =	sadd.s32 $0x8F2B, s0  }
0xba: {  	[sflag:s0] =	ssyncadd.remote.s32 $0x1  }
0xbb: {  	_ =	sfence.sel $0xFFFF  }
0xbc: {  	[dreg:$0x0] =	wrdreg $0xFFFFFFFF;
	(pc) =	sbr.abs _section_cstart, $3  }
0xbd: {  	[dreg:$0x1] =	wrdreg $0xFFFFFFFF  }
0xbe: {  	_ =	task.clear_ibuf [dreg:s4], $0x2FFFF;
	_ =	strace $0x9FFFFFFF  }
0xbf: {  	(tm) =	ssettm $0x7FFFFFFF  }
tec
execute0_lowered:
.L_overlay_start_1:
0x0: {  	(tag) =	ssettag $0x1  }
0x1: {  	s4 =	rddreg [dreg:$0x0]  }
0x2: {  	s0 =	rddreg [dreg:$0x1]  }
0x3: {  	_ =	strace $0x80000047;
	s2 =	stileid.u32;
	s3 =	simm.s32 $0x3E  }
0x4: {  	s1 =	sadd.s32 $0x200, s4;
	p0 =	sne.s32 s2, $0x0;
	[sflag:s3] =	ssyncpa.u1 $0x0  }
0x5: {  	s5 =	simm.s32 @!p0 $0x1C3E;
	s2 =	simm.s32 @!p0 $0x0;
	s6 =	simm.s32 @!p0 $0x0  }
0x6: {  	[spmem:s2], [sflag:s5] =	dma.local @!p0 [hbm:s1], $0x10  }
0x7: {  	s6 =	simm.s32 @p0 $0x10  }
0x8: {  	s7 =	ssub.s32 $0x10, s6  }
0x9: {  	s5 =	simm.s32 @!p0 $0x3E;
	s7 =	sshrl.u32 s7, $0x4  }
0xa: {  	p2 =	por $0x0, $0x0;
	_ =	swait.ge @!p0 [sflag:s5], $0x10;
	s8 =	sadd.s32 $0x1, s7  }
0xb: {  	s31 =	sadd.s32 $0x2200, s4;
	[sflag:s5] =	ssyncset.done @!p0 $0x0;
	p3 =	sne.s32 s8, $0x1  }
.Ltmp0:
0xc: {  	s9 =	sadd.s32 $0x400, s4;
	[sflag:s5] =	ssyncadd.s32 @!p0 $0xFFFFFFF0;
	(pc) =	sbr.rel @!p3 .LBB2_5-.Ltmp0, $4  }
0xd: {  	s4 =	simm.s32 $0x2;
	s10 =	sshrl.u32 s6, $0x3;
	[bflag:$0x0] =	sbarrier.arrive $0xFFFF  }
0xe: {  	s6 =	sadd.s32 s31, s10;
	[sflag:s3] =	ssyncpa.u1 $0x1;
	s3 =	simm.s32 $0x1  }
0xf: {  	s5 =	sadd.s32 s9, s10;
	s10 =	simm.s32 $0x0;
	[sflag:s3] =	ssyncpa.u1 $0x0  }
0x10: {  	s9 =	simm.s32 $0x1;
	(ifvalue) =	ssetifvalue $0x80;
	[sflag:s4] =	ssyncpa.u1 $0x0  }
0x11: {  	p2 =	sle.u32 s7, $0x0  }
0x12: {  	s10 =	simm.s32 @!p2 $0x0;
	s11 =	simm.s32 @!p2 $0x18  }
0x13: {  	[tilespmem:s11], [sflag:$0x2] =	stream.linear.gather @!p2 [hbm4b:s6+s10], $0x10, $0x38;
	[tilespmem:$0x48] =	vst v63  }
0x14: {  	p1 =	por $0x1, $0x1;
	s11 =	simm.s32 @!p2 $0x38  }
0x15: {  	[tilespmem:s11], [sflag:$0x2] =	stream.linear.gather @!p2 [hbm4b:s5+s10], $0x10, $0x38;
	[tilespmem:$0x48] =	vst v63  }
0x16: {  	s10 =	simm.s32 @!p1 $0x2  }
0x17: {  	_ =	swait.ge @!p1 [sflag:s10], $0x20  }
0x18: {  	[sflag:s10] =	ssyncset.done @!p1 $0x0  }
0x19: {  	s11 =	simm.s32 @!p1 $0x18;
	[sflag:s10] =	ssyncadd.s32 @!p1 $0xFFFFFFE0  }
0x1a: {  	v0 =	vld.msk @!p1 [tilespmem:s11+$0x0 ss:$0x1], $0xffff;
	_ =	sdelay $0x4  }
0x1b: {  	v0 =	vmin.u32 @!p1 v0, $0x80;
	_ =	sdelay $0x1  }
0x1c: {  	p3 =	sne.s32 s8, $0x2  }
.Ltmp1:
0x1d: {  	_ = 	snop;
	(pc) =	sbr.rel @!p3 .LBB2_2-.Ltmp1, $4  }
0x1e: {  	vm0 =	vmmov @!p1 $0xffff;
	s10 =	simm.s32 @!p1 $0x38;
	s11 =	simm.s32 @!p1 $0x0  }
0x1f: {  	[spmem:s11] =	stream.indirect_vreg.scatter.add.s32 @!p1 [tilespmem:s10], [sflag:$0x1], $0x1, v0, vm0, $0x4038;
	[tilespmem:$0x48] =	vst v63  }
0x20: {  	s11 =	simm.s32 @!p1 $0x1  }
0x21: {  	p2 =	por $0x1, $0x1;
	s10 =	simm.s32 $0x2;
	_ =	swait.ge @!p1 [sflag:s11], $0x10  }
.LBB2_3:
0x22: {  	p4 =	sge.u32 s9, s7  }
0x23: {  	[sflag:s11] =	ssyncset.done @!p1 $0x0;
	s12 =	smov.u32 s10;
	s10 =	sadd.s32 $0x1, s10  }
0x24: {  	s13 =	simm.s32 @!p4 $0x0;
	s14 =	simm.s32 @!p4 $0x18;
	[sflag:s11] =	ssyncadd.s32 @!p1 $0xFFFFFFF0  }
0x25: {  	[tilespmem:s14], [sflag:$0x2] =	stream.linear.gather @!p4 [hbm4b:s6+s13], $0x10, $0x38;
	[tilespmem:$0x48] =	vst v63  }
0x26: {  	p3 =	sne.s32 s8, s10;
	s11 =	simm.s32 @!p4 $0x38;
	p1 =	seq.s32 s9, $0x0  }
0x27: {  	[tilespmem:s11], [sflag:$0x2] =	stream.linear.gather @!p4 [hbm4b:s5+s13], $0x10, $0x38;
	[tilespmem:$0x48] =	vst v63  }
0x28: {  	s9 =	smov.u32 s12;
	s11 =	simm.s32 @!p1 $0x2  }
0x29: {  	_ =	swait.ge @!p1 [sflag:s11], $0x20  }
0x2a: {  	s12 =	simm.s32 @!p1 $0x18;
	[sflag:s11] =	ssyncset.done @!p1 $0x0  }
0x2b: {  	[sflag:s11] =	ssyncadd.s32 @!p1 $0xFFFFFFE0  }
0x2c: {  	v0 =	vld.msk @!p1 [tilespmem:s12+$0x0 ss:$0x1], $0xffff;
	_ =	sdelay $0x5  }
0x2d: {  	v0 =	vmin.u32 @!p1 v0, $0x80;
	_ =	sdelay $0x1  }
.Ltmp2:
0x2e: {  	(pc) =	sbr.rel @p3 .LBB2_3-.Ltmp2, $4  }
0x2f: {  	vm0 =	vmmov @!p1 $0xffff;
	s13 =	simm.s32 @!p1 $0x0;
	s12 =	simm.s32 @!p1 $0x38  }
0x30: {  	s11 =	simm.s32 @!p1 $0x1  }
0x31: {  	[spmem:s13] =	stream.indirect_vreg.scatter.add.s32 @!p1 [tilespmem:s12], [sflag:$0x1], $0x1, v0, vm0, $0x4038;
	[tilespmem:$0x48] =	vst v63  }
0x32: {  	_ =	swait.ge @!p1 [sflag:s11], $0x10  }
0x33: {  	s10 =	smov.u32 s9  }
.LBB2_5:
0x34: {  	p1 =	por p1, !p2  }
0x35: {  	p2 =	sge.u32 s10, s7;
	[sflag:s11] =	ssyncset.done @!p1 $0x0  }
0x36: {  	s7 =	simm.s32 @!p2 $0x0;
	s8 =	simm.s32 @!p2 $0x18;
	[sflag:s11] =	ssyncadd.s32 @!p1 $0xFFFFFFF0  }
0x37: {  	[tilespmem:s8], [sflag:$0x2] =	stream.linear.gather @!p2 [hbm4b:s6+s7], $0x10, $0x38;
	[tilespmem:$0x48] =	vst v63  }
0x38: {  	p1 =	seq.s32 s10, $0x0;
	s6 =	simm.s32 @!p2 $0x38  }
0x39: {  	[tilespmem:s6], [sflag:$0x2] =	stream.linear.gather @!p2 [hbm4b:s5+s7], $0x10, $0x38;
	[tilespmem:$0x48] =	vst v63  }
0x3a: {  	s5 =	simm.s32 @!p1 $0x2  }
0x3b: {  	_ =	swait.ge @!p1 [sflag:s5], $0x20  }
0x3c: {  	[sflag:s5] =	ssyncset.done @!p1 $0x0  }
0x3d: {  	s6 =	simm.s32 @!p1 $0x18;
	[sflag:s5] =	ssyncadd.s32 @!p1 $0xFFFFFFE0  }
0x3e: {  	v0 =	vld.msk @!p1 [tilespmem:s6+$0x0 ss:$0x1], $0xffff;
	_ =	sdelay $0x4  }
0x3f: {  	v0 =	vmin.u32 @!p1 v0, $0x80;
	_ =	sdelay $0x3  }
0x40: {  	vm0 =	vmmov @!p1 $0xffff;
	s7 =	simm.s32 @!p1 $0x1;
	s5 =	simm.s32 @!p1 $0x38;
	s6 =	simm.s32 @!p1 $0x0  }
0x41: {  	[spmem:s6] =	stream.indirect_vreg.scatter.add.s32 @!p1 [tilespmem:s5], [sflag:$0x1], $0x1, v0, vm0, $0x4038;
	[tilespmem:$0x48] =	vst v63  }
0x42: {  	_ =	swait.ge @!p1 [sflag:s7], $0x10  }
0x43: {  	[sflag:s7] =	ssyncset.done @!p1 $0x0  }
0x44: {  	[sflag:s7] =	ssyncadd.s32 @!p1 $0xFFFFFFF0  }
0x45: {  	_ =	sfence.sel $0x180000  }
0x46: {  	[bflag:$0x0] =	sbarrier.arrive $0xFFFF  }
0x47: {  	[sflag:s4] =	ssyncpa.u1 $0x1  }
0x48: {  	[sflag:s3] =	ssyncpa.u1 $0x1  }
0x49: {  	_ =	sfence.stream.spmem  }
0x4a: {  	s31 =	simm.s32 $0x3D;
	[bflag:$0x0] =	sbarrier.arrive $0xFFFF  }
0x4b: {  	s3 =	simm.s32 @p0 $0x3D;
	[sflag:s31] =	ssyncpa.u1 $0x0  }
0x4c: {  	[sflag:s3] =	ssyncpa.u1 @p0 $0x1  }
0x4d: {  	[bflag:$0x0] =	sbarrier.arrive @p0 $0xFFFF  }
0x4e: {  	_ =	strace @p0 $0x90000047  }
0x4f: {  	s3 =	simm.s32 @!p0 $0x1C3D;
	[bflag:$0x2] =	sbarrier.arrive @p0 $0xFFFF  }
0x50: {  	[hbm:s1], [sflag:s3] =	dma.local @!p0 [spmem:s2], $0x10  }
0x51: {  	s1 =	simm.s32 @!p0 $0x3D  }
0x52: {  	_ =	swait.ge @!p0 [sflag:s1], $0x10  }
0x53: {  	[sflag:s1] =	ssyncset.done @!p0 $0x0  }
0x54: {  	[sflag:s1] =	ssyncadd.s32 @!p0 $0xFFFFFFF0  }
0x55: {  	[sflag:s1] =	ssyncpa.u1 @!p0 $0x1  }
0x56: {  	[bflag:$0x0] =	sbarrier.arrive @!p0 $0xFFFF  }
0x57: {  	_ =	strace @!p0 $0x90000047  }
0x58: {  	s0 =	sadd.s32 @!p0 $0x100000, s0;
	[bflag:$0x2] =	sbarrier.arrive @!p0 $0xFFFF  }
0x59: {  	[sflag:s0] =	ssyncadd.tile.s32 @!p0 $0x1;
	_ =	shalt  }
.LBB2_2:
.Ltmp3:
0x5a: {  	(pc) =	sbr.rel .LBB2_5-.Ltmp3, $2  }
0x5b: {  	_ =	sdelay $0x2  }
0x5c: {  	s10 =	simm.s32 $0x1  }
.Lfunc_end2:
_tile_overlayer_lowered:
.L_overlay_start_2:
0x5d: {  	(tag) =	ssettag $0x2  }
0x5e: {  	s0 =	rddreg [dreg:$0x0];
	s2 =	stileid.u32  }
0x5f: {  	s1 =	rddreg [dreg:$0x1];
	p0 =	sne.s32 s2, $0x0  }
0x60: {  	s3 =	rddreg [dreg:$0x2];
	[bflag:$0x3] =	sbarrier.arrive $0xFFFF;
	s2 =	simm.s32 @!p0 $0x1C01  }
0x61: {  	[timem:s3], [sflag:s2] =	dma.local @!p0 [hbm:s0], s1  }
0x62: {  	s0 =	simm.s32 @!p0 $0x1  }
0x63: {  	_ =	swait.ge @!p0 [sflag:s0], s1  }
0x64: {  	s1 =	ssub.s32 @!p0 $0x0, s1;
	[sflag:s0] =	ssyncset.done @!p0 $0x0  }
0x65: {  	[sflag:s0] =	ssyncadd.s32 @!p0 s1  }
0x66: {  	[bflag:$0x3] =	sbarrier.arrive $0xFFFF  }
0x67: {  	_ =	shalt  }

</sc_bundles>
